<compile_context>
chip_gen: v7x
topology: tpu7x:2x2x1
jax: 0.10.2.dev20260603
libtpu: 0.0.44.dev20260713+nightly
codegen_flags: <defaults>
</compile_context>

<pallas_src>
import functools

import jax
import jax.numpy as jnp
from jax import lax
from jax.experimental import pallas as pl
from jax.experimental.pallas import tpu as pltpu
from jax.experimental.pallas import tpu_sc as plsc

BATCH = 16384
EMBED_DIM = 64
NUMERIC_DIM = 16
OUT_DIM = 2 * EMBED_DIM + NUMERIC_DIM
EMB2 = 2 * EMBED_DIM

_info = plsc.get_sparse_core_info()
_NC, _NS, _NL = _info.num_cores, _info.num_subcores, _info.num_lanes
_NW = _NC * _NS
_BPW = BATCH // _NW
_NG = EMBED_DIM // _NL


@functools.partial(
    pl.kernel,
    mesh=plsc.VectorSubcoreMesh(core_axis_name="c", subcore_axis_name="s"),
    out_type=jax.ShapeDtypeStruct((BATCH, EMB2), jnp.float32),
    scratch_types=[
        pltpu.VMEM((_BPW,), jnp.int32),
        pltpu.VMEM((_BPW,), jnp.int32),
        pltpu.VMEM((EMB2,), jnp.float32),
        pltpu.VMEM((_BPW, EMBED_DIM), jnp.float32),
        pltpu.VMEM((_BPW, EMBED_DIM), jnp.float32),
        pltpu.SemaphoreType.DMA,
    ],
    compiler_params=pltpu.CompilerParams(use_tc_tiling_on_sc=False,
                                         needs_layout_passes=False),
)
def _embed(sex_hbm, site_hbm, sex_table_hbm, site_table_hbm,
           emb_hbm, sex_idx, site_idx, tab_v, sex_rows, site_rows, sem):
    wid = lax.axis_index("s") * _NC + lax.axis_index("c")
    base = wid * _BPW
    pltpu.sync_copy(sex_hbm.at[pl.ds(base, _BPW)], sex_idx)
    pltpu.sync_copy(site_hbm.at[pl.ds(base, _BPW)], site_idx)
    pltpu.sync_copy(sex_table_hbm, tab_v)
    g_site = pltpu.async_copy(site_table_hbm.at[site_idx], site_rows, sem)

    r0 = [tab_v[pl.ds(g * _NL, _NL)] for g in range(_NG)]
    r1 = [tab_v[pl.ds(EMBED_DIM + g * _NL, _NL)] for g in range(_NG)]
    zero = jnp.zeros((_NL,), jnp.int32)

    def row_block(k, carry):
        i0 = k * _NL
        s16 = sex_idx[pl.ds(i0, _NL)]
        for j in range(_NL):
            sv = lax.gather(
                s16, jnp.full((_NL, 1), j, jnp.int32),
                lax.GatherDimensionNumbers(offset_dims=(),
                                           collapsed_slice_dims=(0,),
                                           start_index_map=(0,)),
                (1,), mode=lax.GatherScatterMode.PROMISE_IN_BOUNDS)
            m = sv == zero
            for g in range(_NG):
                sex_rows[i0 + j, pl.ds(g * _NL, _NL)] = (
                    jnp.where(m, r0[g], r1[g]))
        return carry

    lax.fori_loop(0, _BPW // _NL, row_block, 0)

    g_site.wait()
    st_site = pltpu.async_copy(
        site_rows, emb_hbm.at[pl.ds(base, _BPW), pl.ds(EMBED_DIM, EMBED_DIM)],
        sem)
    st_sex = pltpu.async_copy(
        sex_rows, emb_hbm.at[pl.ds(base, _BPW), pl.ds(0, EMBED_DIM)], sem)
    st_site.wait()
    st_sex.wait()


_TC_BLOCK = 8192


def _concat_body(emb_ref, num_ref, out_ref):
    out_ref[...] = jnp.concatenate([emb_ref[...], num_ref[...]], axis=1)


_concat = pl.pallas_call(
    _concat_body,
    grid=(BATCH // _TC_BLOCK,),
    in_specs=[
        pl.BlockSpec((_TC_BLOCK, EMB2), lambda i: (i, 0)),
        pl.BlockSpec((_TC_BLOCK, NUMERIC_DIM), lambda i: (i, 0)),
    ],
    out_specs=pl.BlockSpec((_TC_BLOCK, OUT_DIM), lambda i: (i, 0)),
    out_shape=jax.ShapeDtypeStruct((BATCH, OUT_DIM), jnp.float32),
)


def kernel(sex, site, numeric, sex_table, site_table):
    emb = _embed(sex, site, sex_table.reshape(-1), site_table)
    return _concat(emb, numeric)

# --- scband reference (transcript-rebuilt; emitter-appended) ---
"""Pipeline reference for scband-covariate-encoder-4612794876703 (READ-ONLY COPY).

The authoritative reference and input builder live on the scoring server;
editing this copy changes nothing except your own understanding.
"""

import jax, jax.numpy as jnp
import numpy as np

BATCH = 16384
SEX_DIM = 2
SITE_DIM = 1000
EMBED_DIM = 64
NUMERIC_DIM = 16


def setup_inputs(seed: int = 0) -> dict:
    key = jax.random.key(seed)
    k1, k2, k3, k4, k5 = jax.random.split(key, 5)
    sex = jax.random.randint(k1, (BATCH,), 0, SEX_DIM, dtype=jnp.int32)
    site = jax.random.randint(k2, (BATCH,), 0, SITE_DIM, dtype=jnp.int32)
    numeric = jax.random.normal(k3, (BATCH, NUMERIC_DIM), dtype=jnp.float32)
    sex_table = jax.random.normal(k4, (SEX_DIM, EMBED_DIM), dtype=jnp.float32)
    site_table = jax.random.normal(k5, (SITE_DIM, EMBED_DIM), dtype=jnp.float32)
    return {"sex": sex, "site": site, "numeric": numeric, "sex_table": sex_table, "site_table": site_table}


def reference(sex, site, numeric, sex_table, site_table):
    sex_emb = jnp.take(sex_table, sex, axis=0)
    site_emb = jnp.take(site_table, site, axis=0)
    # numeric_dim != 0 branch
    return jnp.concatenate([sex_emb, site_emb, numeric], axis=-1)

if __name__ == "__main__":
    import jax
    _d = setup_inputs()
    print(jax.jit(kernel)(*tuple(_d.values())))

</pallas_src>

<mosaic_0001>
#map = affine_map<(d0, d1) -> (0)>
#map1 = affine_map<(d0, d1) -> (0, 0)>
module attributes {stable_mosaic.version = 14 : i64} {
  func.func @_embed(%arg0: i32, %arg1: i32, %arg2: memref<16384xi32, #tpu.memory_space<hbm>>, %arg3: memref<16384xi32, #tpu.memory_space<hbm>>, %arg4: memref<128xf32, #tpu.memory_space<hbm>>, %arg5: memref<1000x64xf32, #tpu.memory_space<hbm>>, %arg6: memref<16384x128xf32, #tpu.memory_space<hbm>>, %arg7: memref<512xi32, #tpu.memory_space<vmem>>, %arg8: memref<512xi32, #tpu.memory_space<vmem>>, %arg9: memref<128xf32, #tpu.memory_space<vmem>>, %arg10: memref<512x64xf32, #tpu.memory_space<vmem>>, %arg11: memref<512x64xf32, #tpu.memory_space<vmem>>, %arg12: memref<!tpu.dma_semaphore, #tpu.memory_space<semaphore_mem>>) attributes {dimension_semantics = [#tpu.dimension_semantics<core_parallel>, #tpu.dimension_semantics<subcore_parallel>], iteration_bounds = array<i64: 2, 16>, scalar_prefetch = 0 : i64, scratch_operands = 6 : i64, tpu.core_type = #tpu.core_type<sc_vector_subcore>, window_params = [{transform_indices = #map}, {transform_indices = #map}, {transform_indices = #map}, {transform_indices = #map1}, {transform_indices = #map1}]} {
    %mul3A = arith.constant 2 : i32
    %mul3A_0 = arith.muli %arg1, %mul3A : i32
    %add3A = arith.addi %mul3A_0, %arg0 : i32
    %mul3A_1 = arith.constant 512 : i32
    %mul3A_2 = arith.muli %add3A, %mul3A_1 : i32
    "tpu.region"() ({
      %run_scoped3A = tpu.sem_alloc : memref<!tpu.dma_semaphore, #tpu.memory_space<semaphore_mem>>
      %dma_start3A_44 = tpu.memref_slice %arg2[%mul3A_2] : memref<16384xi32, #tpu.memory_space<hbm>> -> memref<512xi32, #tpu.memory_space<hbm>>
      %dma_start3A_45 = tpu.memref_slice %arg2[%mul3A_2] : memref<16384xi32, #tpu.memory_space<hbm>> -> memref<512xi32, #tpu.memory_space<hbm>>
      tpu.enqueue_dma source(%dma_start3A_45 : memref<512xi32, #tpu.memory_space<hbm>>) target(%arg7 : memref<512xi32, #tpu.memory_space<vmem>>) target_semaphore(%run_scoped3A : memref<!tpu.dma_semaphore, #tpu.memory_space<semaphore_mem>>)
      %dma_wait3A_46 = tpu.memref_slice %arg2[%mul3A_2] : memref<16384xi32, #tpu.memory_space<hbm>> -> memref<512xi32, #tpu.memory_space<hbm>>
      %dma_wait3A_47 = tpu.memref_slice %arg2[%mul3A_2] : memref<16384xi32, #tpu.memory_space<hbm>> -> memref<512xi32, #tpu.memory_space<hbm>>
      tpu.wait_dma2 semaphore(%run_scoped3A : memref<!tpu.dma_semaphore, #tpu.memory_space<semaphore_mem>>) src(%dma_wait3A_47 : memref<512xi32, #tpu.memory_space<hbm>>) dst(%arg7 : memref<512xi32, #tpu.memory_space<vmem>>)
      tpu.yield
    }) : () -> ()
    "tpu.region"() ({
      %run_scoped3A = tpu.sem_alloc : memref<!tpu.dma_semaphore, #tpu.memory_space<semaphore_mem>>
      %dma_start3A_44 = tpu.memref_slice %arg3[%mul3A_2] : memref<16384xi32, #tpu.memory_space<hbm>> -> memref<512xi32, #tpu.memory_space<hbm>>
      %dma_start3A_45 = tpu.memref_slice %arg3[%mul3A_2] : memref<16384xi32, #tpu.memory_space<hbm>> -> memref<512xi32, #tpu.memory_space<hbm>>
      tpu.enqueue_dma source(%dma_start3A_45 : memref<512xi32, #tpu.memory_space<hbm>>) target(%arg8 : memref<512xi32, #tpu.memory_space<vmem>>) target_semaphore(%run_scoped3A : memref<!tpu.dma_semaphore, #tpu.memory_space<semaphore_mem>>)
      %dma_wait3A_46 = tpu.memref_slice %arg3[%mul3A_2] : memref<16384xi32, #tpu.memory_space<hbm>> -> memref<512xi32, #tpu.memory_space<hbm>>
      %dma_wait3A_47 = tpu.memref_slice %arg3[%mul3A_2] : memref<16384xi32, #tpu.memory_space<hbm>> -> memref<512xi32, #tpu.memory_space<hbm>>
      tpu.wait_dma2 semaphore(%run_scoped3A : memref<!tpu.dma_semaphore, #tpu.memory_space<semaphore_mem>>) src(%dma_wait3A_47 : memref<512xi32, #tpu.memory_space<hbm>>) dst(%arg8 : memref<512xi32, #tpu.memory_space<vmem>>)
      tpu.yield
    }) : () -> ()
    "tpu.region"() ({
      %run_scoped3A = tpu.sem_alloc : memref<!tpu.dma_semaphore, #tpu.memory_space<semaphore_mem>>
      tpu.enqueue_dma source(%arg4 : memref<128xf32, #tpu.memory_space<hbm>>) target(%arg9 : memref<128xf32, #tpu.memory_space<vmem>>) target_semaphore(%run_scoped3A : memref<!tpu.dma_semaphore, #tpu.memory_space<semaphore_mem>>)
      tpu.wait_dma2 semaphore(%run_scoped3A : memref<!tpu.dma_semaphore, #tpu.memory_space<semaphore_mem>>) src(%arg4 : memref<128xf32, #tpu.memory_space<hbm>>) dst(%arg9 : memref<128xf32, #tpu.memory_space<vmem>>)
      tpu.yield
    }) : () -> ()
    %dma_start3A = arith.constant 0 : i32
    %dma_start3A_3 = arith.constant 0 : i32
    %dma_start3A_4 = tpu.memref_slice %arg5[%dma_start3A, %dma_start3A_3] : memref<1000x64xf32, #tpu.memory_space<hbm>> -> memref<1000x64xf32, #tpu.memory_space<hbm>>
    tpu.enqueue_indirect_dma source(%dma_start3A_4 : memref<1000x64xf32, #tpu.memory_space<hbm>>) target(%arg11 : memref<512x64xf32, #tpu.memory_space<vmem>>) offsets(%arg8 : memref<512xi32, #tpu.memory_space<vmem>>) semaphore(%arg12 : memref<!tpu.dma_semaphore, #tpu.memory_space<semaphore_mem>>)
    %get3A = arith.constant 0 : index
    %get3A_5 = tpu.vector_load %arg9[%get3A] {strides = array<i32>} : memref<128xf32, #tpu.memory_space<vmem>>, vector<16xf32>,
    %get3A_6 = arith.constant 16 : index
    %get3A_7 = tpu.vector_load %arg9[%get3A_6] {strides = array<i32>} : memref<128xf32, #tpu.memory_space<vmem>>, vector<16xf32>,
    %get3A_8 = arith.constant 32 : index
    %get3A_9 = tpu.vector_load %arg9[%get3A_8] {strides = array<i32>} : memref<128xf32, #tpu.memory_space<vmem>>, vector<16xf32>,
    %get3A_10 = arith.constant 48 : index
    %get3A_11 = tpu.vector_load %arg9[%get3A_10] {strides = array<i32>} : memref<128xf32, #tpu.memory_space<vmem>>, vector<16xf32>,
    %get3A_12 = arith.constant 64 : index
    %get3A_13 = tpu.vector_load %arg9[%get3A_12] {strides = array<i32>} : memref<128xf32, #tpu.memory_space<vmem>>, vector<16xf32>,
    %get3A_14 = arith.constant 80 : index
    %get3A_15 = tpu.vector_load %arg9[%get3A_14] {strides = array<i32>} : memref<128xf32, #tpu.memory_space<vmem>>, vector<16xf32>,
    %get3A_16 = arith.constant 96 : index
    %get3A_17 = tpu.vector_load %arg9[%get3A_16] {strides = array<i32>} : memref<128xf32, #tpu.memory_space<vmem>>, vector<16xf32>,
    %get3A_18 = arith.constant 112 : index
    %get3A_19 = tpu.vector_load %arg9[%get3A_18] {strides = array<i32>} : memref<128xf32, #tpu.memory_space<vmem>>, vector<16xf32>,
    %broadcast_in_dim3A = arith.constant 0 : i32
    %broadcast_in_dim3A_20 = vector.broadcast %broadcast_in_dim3A : i32 to vector<16xi32>
    %scan3A = arith.constant 0 : i32
    %scan3A_21 = arith.constant 0 : i32
    %scan3A_22 = arith.constant 32 : i32
    %scan3A_23 = arith.addi %scan3A_21, %scan3A_22 : i32
    %scan3A_24 = arith.constant 1 : i32
    scf.for %scan3A_44 = %scan3A_21 to %scan3A_23 step %scan3A_24  : i32 {
      %mul3A_45 = arith.constant 16 : i32
      %mul3A_46 = arith.muli %scan3A_44, %mul3A_45 : i32
      %get3A_47 = arith.index_cast %mul3A_46 : i32 to index
      %get3A_48 = tpu.vector_load %arg7[%get3A_47] {strides = array<i32>} : memref<512xi32, #tpu.memory_space<vmem>>, vector<16xi32>,
      %broadcast_in_dim3A_49 = arith.constant 0 : i32
      %broadcast_in_dim3A_50 = vector.broadcast %broadcast_in_dim3A_49 : i32 to vector<16x1xi32>
      %gather3A = vector.shape_cast %broadcast_in_dim3A_50 : vector<16x1xi32> to vector<16xi32>
      %gather3A_51 = tpu.dynamic_gather %get3A_48[%gather3A] in [0] : vector<16xi32>, vector<16xi32> -> vector<16xi32>
      %eq3A = arith.cmpi eq, %gather3A_51, %broadcast_in_dim3A_20 : vector<16xi32>
      %select_n3A = arith.select %eq3A, %get3A_5, %get3A_13 : vector<16xi1>, vector<16xf32>
      %add3A_52 = arith.constant 0 : i32
      %add3A_53 = arith.addi %mul3A_46, %add3A_52 : i32
      %swap3A = arith.index_cast %add3A_53 : i32 to index
      %swap3A_54 = arith.constant 0 : index
      %swap3A_55 = tpu.vector_load %arg10[%swap3A, %swap3A_54] {strides = array<i32>} : memref<512x64xf32, #tpu.memory_space<vmem>>, vector<16xf32>,
      tpu.vector_store %arg10[%swap3A, %swap3A_54], %select_n3A {strides = array<i32>} : memref<512x64xf32, #tpu.memory_space<vmem>>, vector<16xf32>,
      %select_n3A_56 = arith.select %eq3A, %get3A_7, %get3A_15 : vector<16xi1>, vector<16xf32>
      %add3A_57 = arith.constant 0 : i32
      %add3A_58 = arith.addi %mul3A_46, %add3A_57 : i32
      %swap3A_59 = arith.index_cast %add3A_58 : i32 to index
      %swap3A_60 = arith.constant 16 : index
      %swap3A_61 = tpu.vector_load %arg10[%swap3A_59, %swap3A_60] {strides = array<i32>} : memref<512x64xf32, #tpu.memory_space<vmem>>, vector<16xf32>,
      tpu.vector_store %arg10[%swap3A_59, %swap3A_60], %select_n3A_56 {strides = array<i32>} : memref<512x64xf32, #tpu.memory_space<vmem>>, vector<16xf32>,
      %select_n3A_62 = arith.select %eq3A, %get3A_9, %get3A_17 : vector<16xi1>, vector<16xf32>
      %add3A_63 = arith.constant 0 : i32
      %add3A_64 = arith.addi %mul3A_46, %add3A_63 : i32
      %swap3A_65 = arith.index_cast %add3A_64 : i32 to index
      %swap3A_66 = arith.constant 32 : index
      %swap3A_67 = tpu.vector_load %arg10[%swap3A_65, %swap3A_66] {strides = array<i32>} : memref<512x64xf32, #tpu.memory_space<vmem>>, vector<16xf32>,
      tpu.vector_store %arg10[%swap3A_65, %swap3A_66], %select_n3A_62 {strides = array<i32>} : memref<512x64xf32, #tpu.memory_space<vmem>>, vector<16xf32>,
      %select_n3A_68 = arith.select %eq3A, %get3A_11, %get3A_19 : vector<16xi1>, vector<16xf32>
      %add3A_69 = arith.constant 0 : i32
      %add3A_70 = arith.addi %mul3A_46, %add3A_69 : i32
      %swap3A_71 = arith.index_cast %add3A_70 : i32 to index
      %swap3A_72 = arith.constant 48 : index
      %swap3A_73 = tpu.vector_load %arg10[%swap3A_71, %swap3A_72] {strides = array<i32>} : memref<512x64xf32, #tpu.memory_space<vmem>>, vector<16xf32>,
      tpu.vector_store %arg10[%swap3A_71, %swap3A_72], %select_n3A_68 {strides = array<i32>} : memref<512x64xf32, #tpu.memory_space<vmem>>, vector<16xf32>,
      %broadcast_in_dim3A_74 = arith.constant 1 : i32
      %broadcast_in_dim3A_75 = vector.broadcast %broadcast_in_dim3A_74 : i32 to vector<16x1xi32>
      %gather3A_76 = vector.shape_cast %broadcast_in_dim3A_75 : vector<16x1xi32> to vector<16xi32>
      %gather3A_77 = tpu.dynamic_gather %get3A_48[%gather3A_76] in [0] : vector<16xi32>, vector<16xi32> -> vector<16xi32>
      %eq3A_78 = arith.cmpi eq, %gather3A_77, %broadcast_in_dim3A_20 : vector<16xi32>
      %select_n3A_79 = arith.select %eq3A_78, %get3A_5, %get3A_13 : vector<16xi1>, vector<16xf32>
      %add3A_80 = arith.constant 1 : i32
      %add3A_81 = arith.addi %mul3A_46, %add3A_80 : i32
      %swap3A_82 = arith.index_cast %add3A_81 : i32 to index
      %swap3A_83 = arith.constant 0 : index
      %swap3A_84 = tpu.vector_load %arg10[%swap3A_82, %swap3A_83] {strides = array<i32>} : memref<512x64xf32, #tpu.memory_space<vmem>>, vector<16xf32>,
      tpu.vector_store %arg10[%swap3A_82, %swap3A_83], %select_n3A_79 {strides = array<i32>} : memref<512x64xf32, #tpu.memory_space<vmem>>, vector<16xf32>,
      %select_n3A_85 = arith.select %eq3A_78, %get3A_7, %get3A_15 : vector<16xi1>, vector<16xf32>
      %add3A_86 = arith.constant 1 : i32
      %add3A_87 = arith.addi %mul3A_46, %add3A_86 : i32
      %swap3A_88 = arith.index_cast %add3A_87 : i32 to index
      %swap3A_89 = arith.constant 16 : index
      %swap3A_90 = tpu.vector_load %arg10[%swap3A_88, %swap3A_89] {strides = array<i32>} : memref<512x64xf32, #tpu.memory_space<vmem>>, vector<16xf32>,
      tpu.vector_store %arg10[%swap3A_88, %swap3A_89], %select_n3A_85 {strides = array<i32>} : memref<512x64xf32, #tpu.memory_space<vmem>>, vector<16xf32>,
      %select_n3A_91 = arith.select %eq3A_78, %get3A_9, %get3A_17 : vector<16xi1>, vector<16xf32>
      %add3A_92 = arith.constant 1 : i32
      %add3A_93 = arith.addi %mul3A_46, %add3A_92 : i32
      %swap3A_94 = arith.index_cast %add3A_93 : i32 to index
      %swap3A_95 = arith.constant 32 : index
      %swap3A_96 = tpu.vector_load %arg10[%swap3A_94, %swap3A_95] {strides = array<i32>} : memref<512x64xf32, #tpu.memory_space<vmem>>, vector<16xf32>,
      tpu.vector_store %arg10[%swap3A_94, %swap3A_95], %select_n3A_91 {strides = array<i32>} : memref<512x64xf32, #tpu.memory_space<vmem>>, vector<16xf32>,
      %select_n3A_97 = arith.select %eq3A_78, %get3A_11, %get3A_19 : vector<16xi1>, vector<16xf32>
      %add3A_98 = arith.constant 1 : i32
      %add3A_99 = arith.addi %mul3A_46, %add3A_98 : i32
      %swap3A_100 = arith.index_cast %add3A_99 : i32 to index
      %swap3A_101 = arith.constant 48 : index
      %swap3A_102 = tpu.vector_load %arg10[%swap3A_100, %swap3A_101] {strides = array<i32>} : memref<512x64xf32, #tpu.memory_space<vmem>>, vector<16xf32>,
      tpu.vector_store %arg10[%swap3A_100, %swap3A_101], %select_n3A_97 {strides = array<i32>} : memref<512x64xf32, #tpu.memory_space<vmem>>, vector<16xf32>,
      %broadcast_in_dim3A_103 = arith.constant 2 : i32
      %broadcast_in_dim3A_104 = vector.broadcast %broadcast_in_dim3A_103 : i32 to vector<16x1xi32>
      %gather3A_105 = vector.shape_cast %broadcast_in_dim3A_104 : vector<16x1xi32> to vector<16xi32>
      %gather3A_106 = tpu.dynamic_gather %get3A_48[%gather3A_105] in [0] : vector<16xi32>, vector<16xi32> -> vector<16xi32>
      %eq3A_107 = arith.cmpi eq, %gather3A_106, %broadcast_in_dim3A_20 : vector<16xi32>
      %select_n3A_108 = arith.select %eq3A_107, %get3A_5, %get3A_13 : vector<16xi1>, vector<16xf32>
      %add3A_109 = arith.constant 2 : i32
      %add3A_110 = arith.addi %mul3A_46, %add3A_109 : i32
      %swap3A_111 = arith.index_cast %add3A_110 : i32 to index
      %swap3A_112 = arith.constant 0 : index
      %swap3A_113 = tpu.vector_load %arg10[%swap3A_111, %swap3A_112] {strides = array<i32>} : memref<512x64xf32, #tpu.memory_space<vmem>>, vector<16xf32>,
      tpu.vector_store %arg10[%swap3A_111, %swap3A_112], %select_n3A_108 {strides = array<i32>} : memref<512x64xf32, #tpu.memory_space<vmem>>, vector<16xf32>,
      %select_n3A_114 = arith.select %eq3A_107, %get3A_7, %get3A_15 : vector<16xi1>, vector<16xf32>
      %add3A_115 = arith.constant 2 : i32
      %add3A_116 = arith.addi %mul3A_46, %add3A_115 : i32
      %swap3A_117 = arith.index_cast %add3A_116 : i32 to index
      %swap3A_118 = arith.constant 16 : index
      %swap3A_119 = tpu.vector_load %arg10[%swap3A_117, %swap3A_118] {strides = array<i32>} : memref<512x64xf32, #tpu.memory_space<vmem>>, vector<16xf32>,
      tpu.vector_store %arg10[%swap3A_117, %swap3A_118], %select_n3A_114 {strides = array<i32>} : memref<512x64xf32, #tpu.memory_space<vmem>>, vector<16xf32>,
      %select_n3A_120 = arith.select %eq3A_107, %get3A_9, %get3A_17 : vector<16xi1>, vector<16xf32>
      %add3A_121 = arith.constant 2 : i32
      %add3A_122 = arith.addi %mul3A_46, %add3A_121 : i32
      %swap3A_123 = arith.index_cast %add3A_122 : i32 to index
      %swap3A_124 = arith.constant 32 : index
      %swap3A_125 = tpu.vector_load %arg10[%swap3A_123, %swap3A_124] {strides = array<i32>} : memref<512x64xf32, #tpu.memory_space<vmem>>, vector<16xf32>,
      tpu.vector_store %arg10[%swap3A_123, %swap3A_124], %select_n3A_120 {strides = array<i32>} : memref<512x64xf32, #tpu.memory_space<vmem>>, vector<16xf32>,
      %select_n3A_126 = arith.select %eq3A_107, %get3A_11, %get3A_19 : vector<16xi1>, vector<16xf32>
      %add3A_127 = arith.constant 2 : i32
      %add3A_128 = arith.addi %mul3A_46, %add3A_127 : i32
      %swap3A_129 = arith.index_cast %add3A_128 : i32 to index
      %swap3A_130 = arith.constant 48 : index
      %swap3A_131 = tpu.vector_load %arg10[%swap3A_129, %swap3A_130] {strides = array<i32>} : memref<512x64xf32, #tpu.memory_space<vmem>>, vector<16xf32>,
      tpu.vector_store %arg10[%swap3A_129, %swap3A_130], %select_n3A_126 {strides = array<i32>} : memref<512x64xf32, #tpu.memory_space<vmem>>, vector<16xf32>,
      %broadcast_in_dim3A_132 = arith.constant 3 : i32
      %broadcast_in_dim3A_133 = vector.broadcast %broadcast_in_dim3A_132 : i32 to vector<16x1xi32>
      %gather3A_134 = vector.shape_cast %broadcast_in_dim3A_133 : vector<16x1xi32> to vector<16xi32>
      %gather3A_135 = tpu.dynamic_gather %get3A_48[%gather3A_134] in [0] : vector<16xi32>, vector<16xi32> -> vector<16xi32>
      %eq3A_136 = arith.cmpi eq, %gather3A_135, %broadcast_in_dim3A_20 : vector<16xi32>
      %select_n3A_137 = arith.select %eq3A_136, %get3A_5, %get3A_13 : vector<16xi1>, vector<16xf32>
      %add3A_138 = arith.constant 3 : i32
      %add3A_139 = arith.addi %mul3A_46, %add3A_138 : i32
      %swap3A_140 = arith.index_cast %add3A_139 : i32 to index
      %swap3A_141 = arith.constant 0 : index
      %swap3A_142 = tpu.vector_load %arg10[%swap3A_140, %swap3A_141] {strides = array<i32>} : memref<512x64xf32, #tpu.memory_space<vmem>>, vector<16xf32>,
      tpu.vector_store %arg10[%swap3A_140, %swap3A_141], %select_n3A_137 {strides = array<i32>} : memref<512x64xf32, #tpu.memory_space<vmem>>, vector<16xf32>,
      %select_n3A_143 = arith.select %eq3A_136, %get3A_7, %get3A_15 : vector<16xi1>, vector<16xf32>
      %add3A_144 = arith.constant 3 : i32
      %add3A_145 = arith.addi %mul3A_46, %add3A_144 : i32
      %swap3A_146 = arith.index_cast %add3A_145 : i32 to index
      %swap3A_147 = arith.constant 16 : index
      %swap3A_148 = tpu.vector_load %arg10[%swap3A_146, %swap3A_147] {strides = array<i32>} : memref<512x64xf32, #tpu.memory_space<vmem>>, vector<16xf32>,
      tpu.vector_store %arg10[%swap3A_146, %swap3A_147], %select_n3A_143 {strides = array<i32>} : memref<512x64xf32, #tpu.memory_space<vmem>>, vector<16xf32>,
      %select_n3A_149 = arith.select %eq3A_136, %get3A_9, %get3A_17 : vector<16xi1>, vector<16xf32>
      %add3A_150 = arith.constant 3 : i32
      %add3A_151 = arith.addi %mul3A_46, %add3A_150 : i32
      %swap3A_152 = arith.index_cast %add3A_151 : i32 to index
      %swap3A_153 = arith.constant 32 : index
      %swap3A_154 = tpu.vector_load %arg10[%swap3A_152, %swap3A_153] {strides = array<i32>} : memref<512x64xf32, #tpu.memory_space<vmem>>, vector<16xf32>,
      tpu.vector_store %arg10[%swap3A_152, %swap3A_153], %select_n3A_149 {strides = array<i32>} : memref<512x64xf32, #tpu.memory_space<vmem>>, vector<16xf32>,
      %select_n3A_155 = arith.select %eq3A_136, %get3A_11, %get3A_19 : vector<16xi1>, vector<16xf32>
      %add3A_156 = arith.constant 3 : i32
      %add3A_157 = arith.addi %mul3A_46, %add3A_156 : i32
      %swap3A_158 = arith.index_cast %add3A_157 : i32 to index
      %swap3A_159 = arith.constant 48 : index
      %swap3A_160 = tpu.vector_load %arg10[%swap3A_158, %swap3A_159] {strides = array<i32>} : memref<512x64xf32, #tpu.memory_space<vmem>>, vector<16xf32>,
      tpu.vector_store %arg10[%swap3A_158, %swap3A_159], %select_n3A_155 {strides = array<i32>} : memref<512x64xf32, #tpu.memory_space<vmem>>, vector<16xf32>,
      %broadcast_in_dim3A_161 = arith.constant 4 : i32
      %broadcast_in_dim3A_162 = vector.broadcast %broadcast_in_dim3A_161 : i32 to vector<16x1xi32>
      %gather3A_163 = vector.shape_cast %broadcast_in_dim3A_162 : vector<16x1xi32> to vector<16xi32>
      %gather3A_164 = tpu.dynamic_gather %get3A_48[%gather3A_163] in [0] : vector<16xi32>, vector<16xi32> -> vector<16xi32>
      %eq3A_165 = arith.cmpi eq, %gather3A_164, %broadcast_in_dim3A_20 : vector<16xi32>
      %select_n3A_166 = arith.select %eq3A_165, %get3A_5, %get3A_13 : vector<16xi1>, vector<16xf32>
      %add3A_167 = arith.constant 4 : i32
      %add3A_168 = arith.addi %mul3A_46, %add3A_167 : i32
      %swap3A_169 = arith.index_cast %add3A_168 : i32 to index
      %swap3A_170 = arith.constant 0 : index
      %swap3A_171 = tpu.vector_load %arg10[%swap3A_169, %swap3A_170] {strides = array<i32>} : memref<512x64xf32, #tpu.memory_space<vmem>>, vector<16xf32>,
      tpu.vector_store %arg10[%swap3A_169, %swap3A_170], %select_n3A_166 {strides = array<i32>} : memref<512x64xf32, #tpu.memory_space<vmem>>, vector<16xf32>,
      %select_n3A_172 = arith.select %eq3A_165, %get3A_7, %get3A_15 : vector<16xi1>, vector<16xf32>
      %add3A_173 = arith.constant 4 : i32
      %add3A_174 = arith.addi %mul3A_46, %add3A_173 : i32
      %swap3A_175 = arith.index_cast %add3A_174 : i32 to index
      %swap3A_176 = arith.constant 16 : index
      %swap3A_177 = tpu.vector_load %arg10[%swap3A_175, %swap3A_176] {strides = array<i32>} : memref<512x64xf32, #tpu.memory_space<vmem>>, vector<16xf32>,
      tpu.vector_store %arg10[%swap3A_175, %swap3A_176], %select_n3A_172 {strides = array<i32>} : memref<512x64xf32, #tpu.memory_space<vmem>>, vector<16xf32>,
      %select_n3A_178 = arith.select %eq3A_165, %get3A_9, %get3A_17 : vector<16xi1>, vector<16xf32>
      %add3A_179 = arith.constant 4 : i32
      %add3A_180 = arith.addi %mul3A_46, %add3A_179 : i32
      %swap3A_181 = arith.index_cast %add3A_180 : i32 to index
      %swap3A_182 = arith.constant 32 : index
      %swap3A_183 = tpu.vector_load %arg10[%swap3A_181, %swap3A_182] {strides = array<i32>} : memref<512x64xf32, #tpu.memory_space<vmem>>, vector<16xf32>,
      tpu.vector_store %arg10[%swap3A_181, %swap3A_182], %select_n3A_178 {strides = array<i32>} : memref<512x64xf32, #tpu.memory_space<vmem>>, vector<16xf32>,
      %select_n3A_184 = arith.select %eq3A_165, %get3A_11, %get3A_19 : vector<16xi1>, vector<16xf32>
      %add3A_185 = arith.constant 4 : i32
      %add3A_186 = arith.addi %mul3A_46, %add3A_185 : i32
      %swap3A_187 = arith.index_cast %add3A_186 : i32 to index
      %swap3A_188 = arith.constant 48 : index
      %swap3A_189 = tpu.vector_load %arg10[%swap3A_187, %swap3A_188] {strides = array<i32>} : memref<512x64xf32, #tpu.memory_space<vmem>>, vector<16xf32>,
      tpu.vector_store %arg10[%swap3A_187, %swap3A_188], %select_n3A_184 {strides = array<i32>} : memref<512x64xf32, #tpu.memory_space<vmem>>, vector<16xf32>,
      %broadcast_in_dim3A_190 = arith.constant 5 : i32
      %broadcast_in_dim3A_191 = vector.broadcast %broadcast_in_dim3A_190 : i32 to vector<16x1xi32>
      %gather3A_192 = vector.shape_cast %broadcast_in_dim3A_191 : vector<16x1xi32> to vector<16xi32>
      %gather3A_193 = tpu.dynamic_gather %get3A_48[%gather3A_192] in [0] : vector<16xi32>, vector<16xi32> -> vector<16xi32>
      %eq3A_194 = arith.cmpi eq, %gather3A_193, %broadcast_in_dim3A_20 : vector<16xi32>
      %select_n3A_195 = arith.select %eq3A_194, %get3A_5, %get3A_13 : vector<16xi1>, vector<16xf32>
      %add3A_196 = arith.constant 5 : i32
      %add3A_197 = arith.addi %mul3A_46, %add3A_196 : i32
      %swap3A_198 = arith.index_cast %add3A_197 : i32 to index
      %swap3A_199 = arith.constant 0 : index
      %swap3A_200 = tpu.vector_load %arg10[%swap3A_198, %swap3A_199] {strides = array<i32>} : memref<512x64xf32, #tpu.memory_space<vmem>>, vector<16xf32>,
      tpu.vector_store %arg10[%swap3A_198, %swap3A_199], %select_n3A_195 {strides = array<i32>} : memref<512x64xf32, #tpu.memory_space<vmem>>, vector<16xf32>,
      %select_n3A_201 = arith.select %eq3A_194, %get3A_7, %get3A_15 : vector<16xi1>, vector<16xf32>
      %add3A_202 = arith.constant 5 : i32
      %add3A_203 = arith.addi %mul3A_46, %add3A_202 : i32
      %swap3A_204 = arith.index_cast %add3A_203 : i32 to index
      %swap3A_205 = arith.constant 16 : index
      %swap3A_206 = tpu.vector_load %arg10[%swap3A_204, %swap3A_205] {strides = array<i32>} : memref<512x64xf32, #tpu.memory_space<vmem>>, vector<16xf32>,
      tpu.vector_store %arg10[%swap3A_204, %swap3A_205], %select_n3A_201 {strides = array<i32>} : memref<512x64xf32, #tpu.memory_space<vmem>>, vector<16xf32>,
      %select_n3A_207 = arith.select %eq3A_194, %get3A_9, %get3A_17 : vector<16xi1>, vector<16xf32>
      %add3A_208 = arith.constant 5 : i32
      %add3A_209 = arith.addi %mul3A_46, %add3A_208 : i32
      %swap3A_210 = arith.index_cast %add3A_209 : i32 to index
      %swap3A_211 = arith.constant 32 : index
      %swap3A_212 = tpu.vector_load %arg10[%swap3A_210, %swap3A_211] {strides = array<i32>} : memref<512x64xf32, #tpu.memory_space<vmem>>, vector<16xf32>,
      tpu.vector_store %arg10[%swap3A_210, %swap3A_211], %select_n3A_207 {strides = array<i32>} : memref<512x64xf32, #tpu.memory_space<vmem>>, vector<16xf32>,
      %select_n3A_213 = arith.select %eq3A_194, %get3A_11, %get3A_19 : vector<16xi1>, vector<16xf32>
      %add3A_214 = arith.constant 5 : i32
      %add3A_215 = arith.addi %mul3A_46, %add3A_214 : i32
      %swap3A_216 = arith.index_cast %add3A_215 : i32 to index
      %swap3A_217 = arith.constant 48 : index
      %swap3A_218 = tpu.vector_load %arg10[%swap3A_216, %swap3A_217] {strides = array<i32>} : memref<512x64xf32, #tpu.memory_space<vmem>>, vector<16xf32>,
      tpu.vector_store %arg10[%swap3A_216, %swap3A_217], %select_n3A_213 {strides = array<i32>} : memref<512x64xf32, #tpu.memory_space<vmem>>, vector<16xf32>,
      %broadcast_in_dim3A_219 = arith.constant 6 : i32
      %broadcast_in_dim3A_220 = vector.broadcast %broadcast_in_dim3A_219 : i32 to vector<16x1xi32>
      %gather3A_221 = vector.shape_cast %broadcast_in_dim3A_220 : vector<16x1xi32> to vector<16xi32>
      %gather3A_222 = tpu.dynamic_gather %get3A_48[%gather3A_221] in [0] : vector<16xi32>, vector<16xi32> -> vector<16xi32>
      %eq3A_223 = arith.cmpi eq, %gather3A_222, %broadcast_in_dim3A_20 : vector<16xi32>
      %select_n3A_224 = arith.select %eq3A_223, %get3A_5, %get3A_13 : vector<16xi1>, vector<16xf32>
      %add3A_225 = arith.constant 6 : i32
      %add3A_226 = arith.addi %mul3A_46, %add3A_225 : i32
      %swap3A_227 = arith.index_cast %add3A_226 : i32 to index
      %swap3A_228 = arith.constant 0 : index
      %swap3A_229 = tpu.vector_load %arg10[%swap3A_227, %swap3A_228] {strides = array<i32>} : memref<512x64xf32, #tpu.memory_space<vmem>>, vector<16xf32>,
      tpu.vector_store %arg10[%swap3A_227, %swap3A_228], %select_n3A_224 {strides = array<i32>} : memref<512x64xf32, #tpu.memory_space<vmem>>, vector<16xf32>,
      %select_n3A_230 = arith.select %eq3A_223, %get3A_7, %get3A_15 : vector<16xi1>, vector<16xf32>
      %add3A_231 = arith.constant 6 : i32
      %add3A_232 = arith.addi %mul3A_46, %add3A_231 : i32
      %swap3A_233 = arith.index_cast %add3A_232 : i32 to index
      %swap3A_234 = arith.constant 16 : index
      %swap3A_235 = tpu.vector_load %arg10[%swap3A_233, %swap3A_234] {strides = array<i32>} : memref<512x64xf32, #tpu.memory_space<vmem>>, vector<16xf32>,
      tpu.vector_store %arg10[%swap3A_233, %swap3A_234], %select_n3A_230 {strides = array<i32>} : memref<512x64xf32, #tpu.memory_space<vmem>>, vector<16xf32>,
      %select_n3A_236 = arith.select %eq3A_223, %get3A_9, %get3A_17 : vector<16xi1>, vector<16xf32>
      %add3A_237 = arith.constant 6 : i32
      %add3A_238 = arith.addi %mul3A_46, %add3A_237 : i32
      %swap3A_239 = arith.index_cast %add3A_238 : i32 to index
      %swap3A_240 = arith.constant 32 : index
      %swap3A_241 = tpu.vector_load %arg10[%swap3A_239, %swap3A_240] {strides = array<i32>} : memref<512x64xf32, #tpu.memory_space<vmem>>, vector<16xf32>,
      tpu.vector_store %arg10[%swap3A_239, %swap3A_240], %select_n3A_236 {strides = array<i32>} : memref<512x64xf32, #tpu.memory_space<vmem>>, vector<16xf32>,
      %select_n3A_242 = arith.select %eq3A_223, %get3A_11, %get3A_19 : vector<16xi1>, vector<16xf32>
      %add3A_243 = arith.constant 6 : i32
      %add3A_244 = arith.addi %mul3A_46, %add3A_243 : i32
      %swap3A_245 = arith.index_cast %add3A_244 : i32 to index
      %swap3A_246 = arith.constant 48 : index
      %swap3A_247 = tpu.vector_load %arg10[%swap3A_245, %swap3A_246] {strides = array<i32>} : memref<512x64xf32, #tpu.memory_space<vmem>>, vector<16xf32>,
      tpu.vector_store %arg10[%swap3A_245, %swap3A_246], %select_n3A_242 {strides = array<i32>} : memref<512x64xf32, #tpu.memory_space<vmem>>, vector<16xf32>,
      %broadcast_in_dim3A_248 = arith.constant 7 : i32
      %broadcast_in_dim3A_249 = vector.broadcast %broadcast_in_dim3A_248 : i32 to vector<16x1xi32>
      %gather3A_250 = vector.shape_cast %broadcast_in_dim3A_249 : vector<16x1xi32> to vector<16xi32>
      %gather3A_251 = tpu.dynamic_gather %get3A_48[%gather3A_250] in [0] : vector<16xi32>, vector<16xi32> -> vector<16xi32>
      %eq3A_252 = arith.cmpi eq, %gather3A_251, %broadcast_in_dim3A_20 : vector<16xi32>
      %select_n3A_253 = arith.select %eq3A_252, %get3A_5, %get3A_13 : vector<16xi1>, vector<16xf32>
      %add3A_254 = arith.constant 7 : i32
      %add3A_255 = arith.addi %mul3A_46, %add3A_254 : i32
      %swap3A_256 = arith.index_cast %add3A_255 : i32 to index
      %swap3A_257 = arith.constant 0 : index
      %swap3A_258 = tpu.vector_load %arg10[%swap3A_256, %swap3A_257] {strides = array<i32>} : memref<512x64xf32, #tpu.memory_space<vmem>>, vector<16xf32>,
      tpu.vector_store %arg10[%swap3A_256, %swap3A_257], %select_n3A_253 {strides = array<i32>} : memref<512x64xf32, #tpu.memory_space<vmem>>, vector<16xf32>,
      %select_n3A_259 = arith.select %eq3A_252, %get3A_7, %get3A_15 : vector<16xi1>, vector<16xf32>
      %add3A_260 = arith.constant 7 : i32
      %add3A_261 = arith.addi %mul3A_46, %add3A_260 : i32
      %swap3A_262 = arith.index_cast %add3A_261 : i32 to index
      %swap3A_263 = arith.constant 16 : index
      %swap3A_264 = tpu.vector_load %arg10[%swap3A_262, %swap3A_263] {strides = array<i32>} : memref<512x64xf32, #tpu.memory_space<vmem>>, vector<16xf32>,
      tpu.vector_store %arg10[%swap3A_262, %swap3A_263], %select_n3A_259 {strides = array<i32>} : memref<512x64xf32, #tpu.memory_space<vmem>>, vector<16xf32>,
      %select_n3A_265 = arith.select %eq3A_252, %get3A_9, %get3A_17 : vector<16xi1>, vector<16xf32>
      %add3A_266 = arith.constant 7 : i32
      %add3A_267 = arith.addi %mul3A_46, %add3A_266 : i32
      %swap3A_268 = arith.index_cast %add3A_267 : i32 to index
      %swap3A_269 = arith.constant 32 : index
      %swap3A_270 = tpu.vector_load %arg10[%swap3A_268, %swap3A_269] {strides = array<i32>} : memref<512x64xf32, #tpu.memory_space<vmem>>, vector<16xf32>,
      tpu.vector_store %arg10[%swap3A_268, %swap3A_269], %select_n3A_265 {strides = array<i32>} : memref<512x64xf32, #tpu.memory_space<vmem>>, vector<16xf32>,
      %select_n3A_271 = arith.select %eq3A_252, %get3A_11, %get3A_19 : vector<16xi1>, vector<16xf32>
      %add3A_272 = arith.constant 7 : i32
      %add3A_273 = arith.addi %mul3A_46, %add3A_272 : i32
      %swap3A_274 = arith.index_cast %add3A_273 : i32 to index
      %swap3A_275 = arith.constant 48 : index
      %swap3A_276 = tpu.vector_load %arg10[%swap3A_274, %swap3A_275] {strides = array<i32>} : memref<512x64xf32, #tpu.memory_space<vmem>>, vector<16xf32>,
      tpu.vector_store %arg10[%swap3A_274, %swap3A_275], %select_n3A_271 {strides = array<i32>} : memref<512x64xf32, #tpu.memory_space<vmem>>, vector<16xf32>,
      %broadcast_in_dim3A_277 = arith.constant 8 : i32
      %broadcast_in_dim3A_278 = vector.broadcast %broadcast_in_dim3A_277 : i32 to vector<16x1xi32>
      %gather3A_279 = vector.shape_cast %broadcast_in_dim3A_278 : vector<16x1xi32> to vector<16xi32>
      %gather3A_280 = tpu.dynamic_gather %get3A_48[%gather3A_279] in [0] : vector<16xi32>, vector<16xi32> -> vector<16xi32>
      %eq3A_281 = arith.cmpi eq, %gather3A_280, %broadcast_in_dim3A_20 : vector<16xi32>
      %select_n3A_282 = arith.select %eq3A_281, %get3A_5, %get3A_13 : vector<16xi1>, vector<16xf32>
      %add3A_283 = arith.constant 8 : i32
      %add3A_284 = arith.addi %mul3A_46, %add3A_283 : i32
      %swap3A_285 = arith.index_cast %add3A_284 : i32 to index
      %swap3A_286 = arith.constant 0 : index
      %swap3A_287 = tpu.vector_load %arg10[%swap3A_285, %swap3A_286] {strides = array<i32>} : memref<512x64xf32, #tpu.memory_space<vmem>>, vector<16xf32>,
      tpu.vector_store %arg10[%swap3A_285, %swap3A_286], %select_n3A_282 {strides = array<i32>} : memref<512x64xf32, #tpu.memory_space<vmem>>, vector<16xf32>,
      %select_n3A_288 = arith.select %eq3A_281, %get3A_7, %get3A_15 : vector<16xi1>, vector<16xf32>
      %add3A_289 = arith.constant 8 : i32
      %add3A_290 = arith.addi %mul3A_46, %add3A_289 : i32
      %swap3A_291 = arith.index_cast %add3A_290 : i32 to index
      %swap3A_292 = arith.constant 16 : index
      %swap3A_293 = tpu.vector_load %arg10[%swap3A_291, %swap3A_292] {strides = array<i32>} : memref<512x64xf32, #tpu.memory_space<vmem>>, vector<16xf32>,
      tpu.vector_store %arg10[%swap3A_291, %swap3A_292], %select_n3A_288 {strides = array<i32>} : memref<512x64xf32, #tpu.memory_space<vmem>>, vector<16xf32>,
      %select_n3A_294 = arith.select %eq3A_281, %get3A_9, %get3A_17 : vector<16xi1>, vector<16xf32>
      %add3A_295 = arith.constant 8 : i32
      %add3A_296 = arith.addi %mul3A_46, %add3A_295 : i32
      %swap3A_297 = arith.index_cast %add3A_296 : i32 to index
      %swap3A_298 = arith.constant 32 : index
      %swap3A_299 = tpu.vector_load %arg10[%swap3A_297, %swap3A_298] {strides = array<i32>} : memref<512x64xf32, #tpu.memory_space<vmem>>, vector<16xf32>,
      tpu.vector_store %arg10[%swap3A_297, %swap3A_298], %select_n3A_294 {strides = array<i32>} : memref<512x64xf32, #tpu.memory_space<vmem>>, vector<16xf32>,
      %select_n3A_300 = arith.select %eq3A_281, %get3A_11, %get3A_19 : vector<16xi1>, vector<16xf32>
      %add3A_301 = arith.constant 8 : i32
      %add3A_302 = arith.addi %mul3A_46, %add3A_301 : i32
      %swap3A_303 = arith.index_cast %add3A_302 : i32 to index
      %swap3A_304 = arith.constant 48 : index
      %swap3A_305 = tpu.vector_load %arg10[%swap3A_303, %swap3A_304] {strides = array<i32>} : memref<512x64xf32, #tpu.memory_space<vmem>>, vector<16xf32>,
      tpu.vector_store %arg10[%swap3A_303, %swap3A_304], %select_n3A_300 {strides = array<i32>} : memref<512x64xf32, #tpu.memory_space<vmem>>, vector<16xf32>,
      %broadcast_in_dim3A_306 = arith.constant 9 : i32
      %broadcast_in_dim3A_307 = vector.broadcast %broadcast_in_dim3A_306 : i32 to vector<16x1xi32>
      %gather3A_308 = vector.shape_cast %broadcast_in_dim3A_307 : vector<16x1xi32> to vector<16xi32>
      %gather3A_309 = tpu.dynamic_gather %get3A_48[%gather3A_308] in [0] : vector<16xi32>, vector<16xi32> -> vector<16xi32>
      %eq3A_310 = arith.cmpi eq, %gather3A_309, %broadcast_in_dim3A_20 : vector<16xi32>
      %select_n3A_311 = arith.select %eq3A_310, %get3A_5, %get3A_13 : vector<16xi1>, vector<16xf32>
      %add3A_312 = arith.constant 9 : i32
      %add3A_313 = arith.addi %mul3A_46, %add3A_312 : i32
      %swap3A_314 = arith.index_cast %add3A_313 : i32 to index
      %swap3A_315 = arith.constant 0 : index
      %swap3A_316 = tpu.vector_load %arg10[%swap3A_314, %swap3A_315] {strides = array<i32>} : memref<512x64xf32, #tpu.memory_space<vmem>>, vector<16xf32>,
      tpu.vector_store %arg10[%swap3A_314, %swap3A_315], %select_n3A_311 {strides = array<i32>} : memref<512x64xf32, #tpu.memory_space<vmem>>, vector<16xf32>,
      %select_n3A_317 = arith.select %eq3A_310, %get3A_7, %get3A_15 : vector<16xi1>, vector<16xf32>
      %add3A_318 = arith.constant 9 : i32
      %add3A_319 = arith.addi %mul3A_46, %add3A_318 : i32
      %swap3A_320 = arith.index_cast %add3A_319 : i32 to index
      %swap3A_321 = arith.constant 16 : index
      %swap3A_322 = tpu.vector_load %arg10[%swap3A_320, %swap3A_321] {strides = array<i32>} : memref<512x64xf32, #tpu.memory_space<vmem>>, vector<16xf32>,
      tpu.vector_store %arg10[%swap3A_320, %swap3A_321], %select_n3A_317 {strides = array<i32>} : memref<512x64xf32, #tpu.memory_space<vmem>>, vector<16xf32>,
      %select_n3A_323 = arith.select %eq3A_310, %get3A_9, %get3A_17 : vector<16xi1>, vector<16xf32>
      %add3A_324 = arith.constant 9 : i32
      %add3A_325 = arith.addi %mul3A_46, %add3A_324 : i32
      %swap3A_326 = arith.index_cast %add3A_325 : i32 to index
      %swap3A_327 = arith.constant 32 : index
      %swap3A_328 = tpu.vector_load %arg10[%swap3A_326, %swap3A_327] {strides = array<i32>} : memref<512x64xf32, #tpu.memory_space<vmem>>, vector<16xf32>,
      tpu.vector_store %arg10[%swap3A_326, %swap3A_327], %select_n3A_323 {strides = array<i32>} : memref<512x64xf32, #tpu.memory_space<vmem>>, vector<16xf32>,
      %select_n3A_329 = arith.select %eq3A_310, %get3A_11, %get3A_19 : vector<16xi1>, vector<16xf32>
      %add3A_330 = arith.constant 9 : i32
      %add3A_331 = arith.addi %mul3A_46, %add3A_330 : i32
      %swap3A_332 = arith.index_cast %add3A_331 : i32 to index
      %swap3A_333 = arith.constant 48 : index
      %swap3A_334 = tpu.vector_load %arg10[%swap3A_332, %swap3A_333] {strides = array<i32>} : memref<512x64xf32, #tpu.memory_space<vmem>>, vector<16xf32>,
      tpu.vector_store %arg10[%swap3A_332, %swap3A_333], %select_n3A_329 {strides = array<i32>} : memref<512x64xf32, #tpu.memory_space<vmem>>, vector<16xf32>,
      %broadcast_in_dim3A_335 = arith.constant 10 : i32
      %broadcast_in_dim3A_336 = vector.broadcast %broadcast_in_dim3A_335 : i32 to vector<16x1xi32>
      %gather3A_337 = vector.shape_cast %broadcast_in_dim3A_336 : vector<16x1xi32> to vector<16xi32>
      %gather3A_338 = tpu.dynamic_gather %get3A_48[%gather3A_337] in [0] : vector<16xi32>, vector<16xi32> -> vector<16xi32>
      %eq3A_339 = arith.cmpi eq, %gather3A_338, %broadcast_in_dim3A_20 : vector<16xi32>
      %select_n3A_340 = arith.select %eq3A_339, %get3A_5, %get3A_13 : vector<16xi1>, vector<16xf32>
      %add3A_341 = arith.constant 10 : i32
      %add3A_342 = arith.addi %mul3A_46, %add3A_341 : i32
      %swap3A_343 = arith.index_cast %add3A_342 : i32 to index
      %swap3A_344 = arith.constant 0 : index
      %swap3A_345 = tpu.vector_load %arg10[%swap3A_343, %swap3A_344] {strides = array<i32>} : memref<512x64xf32, #tpu.memory_space<vmem>>, vector<16xf32>,
      tpu.vector_store %arg10[%swap3A_343, %swap3A_344], %select_n3A_340 {strides = array<i32>} : memref<512x64xf32, #tpu.memory_space<vmem>>, vector<16xf32>,
      %select_n3A_346 = arith.select %eq3A_339, %get3A_7, %get3A_15 : vector<16xi1>, vector<16xf32>
      %add3A_347 = arith.constant 10 : i32
      %add3A_348 = arith.addi %mul3A_46, %add3A_347 : i32
      %swap3A_349 = arith.index_cast %add3A_348 : i32 to index
      %swap3A_350 = arith.constant 16 : index
      %swap3A_351 = tpu.vector_load %arg10[%swap3A_349, %swap3A_350] {strides = array<i32>} : memref<512x64xf32, #tpu.memory_space<vmem>>, vector<16xf32>,
      tpu.vector_store %arg10[%swap3A_349, %swap3A_350], %select_n3A_346 {strides = array<i32>} : memref<512x64xf32, #tpu.memory_space<vmem>>, vector<16xf32>,
      %select_n3A_352 = arith.select %eq3A_339, %get3A_9, %get3A_17 : vector<16xi1>, vector<16xf32>
      %add3A_353 = arith.constant 10 : i32
      %add3A_354 = arith.addi %mul3A_46, %add3A_353 : i32
      %swap3A_355 = arith.index_cast %add3A_354 : i32 to index
      %swap3A_356 = arith.constant 32 : index
      %swap3A_357 = tpu.vector_load %arg10[%swap3A_355, %swap3A_356] {strides = array<i32>} : memref<512x64xf32, #tpu.memory_space<vmem>>, vector<16xf32>,
      tpu.vector_store %arg10[%swap3A_355, %swap3A_356], %select_n3A_352 {strides = array<i32>} : memref<512x64xf32, #tpu.memory_space<vmem>>, vector<16xf32>,
      %select_n3A_358 = arith.select %eq3A_339, %get3A_11, %get3A_19 : vector<16xi1>, vector<16xf32>
      %add3A_359 = arith.constant 10 : i32
      %add3A_360 = arith.addi %mul3A_46, %add3A_359 : i32
      %swap3A_361 = arith.index_cast %add3A_360 : i32 to index
      %swap3A_362 = arith.constant 48 : index
      %swap3A_363 = tpu.vector_load %arg10[%swap3A_361, %swap3A_362] {strides = array<i32>} : memref<512x64xf32, #tpu.memory_space<vmem>>, vector<16xf32>,
      tpu.vector_store %arg10[%swap3A_361, %swap3A_362], %select_n3A_358 {strides = array<i32>} : memref<512x64xf32, #tpu.memory_space<vmem>>, vector<16xf32>,
      %broadcast_in_dim3A_364 = arith.constant 11 : i32
      %broadcast_in_dim3A_365 = vector.broadcast %broadcast_in_dim3A_364 : i32 to vector<16x1xi32>
      %gather3A_366 = vector.shape_cast %broadcast_in_dim3A_365 : vector<16x1xi32> to vector<16xi32>
      %gather3A_367 = tpu.dynamic_gather %get3A_48[%gather3A_366] in [0] : vector<16xi32>, vector<16xi32> -> vector<16xi32>
      %eq3A_368 = arith.cmpi eq, %gather3A_367, %broadcast_in_dim3A_20 : vector<16xi32>
      %select_n3A_369 = arith.select %eq3A_368, %get3A_5, %get3A_13 : vector<16xi1>, vector<16xf32>
      %add3A_370 = arith.constant 11 : i32
      %add3A_371 = arith.addi %mul3A_46, %add3A_370 : i32
      %swap3A_372 = arith.index_cast %add3A_371 : i32 to index
      %swap3A_373 = arith.constant 0 : index
      %swap3A_374 = tpu.vector_load %arg10[%swap3A_372, %swap3A_373] {strides = array<i32>} : memref<512x64xf32, #tpu.memory_space<vmem>>, vector<16xf32>,
      tpu.vector_store %arg10[%swap3A_372, %swap3A_373], %select_n3A_369 {strides = array<i32>} : memref<512x64xf32, #tpu.memory_space<vmem>>, vector<16xf32>,
      %select_n3A_375 = arith.select %eq3A_368, %get3A_7, %get3A_15 : vector<16xi1>, vector<16xf32>
      %add3A_376 = arith.constant 11 : i32
      %add3A_377 = arith.addi %mul3A_46, %add3A_376 : i32
      %swap3A_378 = arith.index_cast %add3A_377 : i32 to index
      %swap3A_379 = arith.constant 16 : index
      %swap3A_380 = tpu.vector_load %arg10[%swap3A_378, %swap3A_379] {strides = array<i32>} : memref<512x64xf32, #tpu.memory_space<vmem>>, vector<16xf32>,
      tpu.vector_store %arg10[%swap3A_378, %swap3A_379], %select_n3A_375 {strides = array<i32>} : memref<512x64xf32, #tpu.memory_space<vmem>>, vector<16xf32>,
      %select_n3A_381 = arith.select %eq3A_368, %get3A_9, %get3A_17 : vector<16xi1>, vector<16xf32>
      %add3A_382 = arith.constant 11 : i32
      %add3A_383 = arith.addi %mul3A_46, %add3A_382 : i32
      %swap3A_384 = arith.index_cast %add3A_383 : i32 to index
      %swap3A_385 = arith.constant 32 : index
      %swap3A_386 = tpu.vector_load %arg10[%swap3A_384, %swap3A_385] {strides = array<i32>} : memref<512x64xf32, #tpu.memory_space<vmem>>, vector<16xf32>,
      tpu.vector_store %arg10[%swap3A_384, %swap3A_385], %select_n3A_381 {strides = array<i32>} : memref<512x64xf32, #tpu.memory_space<vmem>>, vector<16xf32>,
      %select_n3A_387 = arith.select %eq3A_368, %get3A_11, %get3A_19 : vector<16xi1>, vector<16xf32>
      %add3A_388 = arith.constant 11 : i32
      %add3A_389 = arith.addi %mul3A_46, %add3A_388 : i32
      %swap3A_390 = arith.index_cast %add3A_389 : i32 to index
      %swap3A_391 = arith.constant 48 : index
      %swap3A_392 = tpu.vector_load %arg10[%swap3A_390, %swap3A_391] {strides = array<i32>} : memref<512x64xf32, #tpu.memory_space<vmem>>, vector<16xf32>,
      tpu.vector_store %arg10[%swap3A_390, %swap3A_391], %select_n3A_387 {strides = array<i32>} : memref<512x64xf32, #tpu.memory_space<vmem>>, vector<16xf32>,
      %broadcast_in_dim3A_393 = arith.constant 12 : i32
      %broadcast_in_dim3A_394 = vector.broadcast %broadcast_in_dim3A_393 : i32 to vector<16x1xi32>
      %gather3A_395 = vector.shape_cast %broadcast_in_dim3A_394 : vector<16x1xi32> to vector<16xi32>
      %gather3A_396 = tpu.dynamic_gather %get3A_48[%gather3A_395] in [0] : vector<16xi32>, vector<16xi32> -> vector<16xi32>
      %eq3A_397 = arith.cmpi eq, %gather3A_396, %broadcast_in_dim3A_20 : vector<16xi32>
      %select_n3A_398 = arith.select %eq3A_397, %get3A_5, %get3A_13 : vector<16xi1>, vector<16xf32>
      %add3A_399 = arith.constant 12 : i32
      %add3A_400 = arith.addi %mul3A_46, %add3A_399 : i32
      %swap3A_401 = arith.index_cast %add3A_400 : i32 to index
      %swap3A_402 = arith.constant 0 : index
      %swap3A_403 = tpu.vector_load %arg10[%swap3A_401, %swap3A_402] {strides = array<i32>} : memref<512x64xf32, #tpu.memory_space<vmem>>, vector<16xf32>,
      tpu.vector_store %arg10[%swap3A_401, %swap3A_402], %select_n3A_398 {strides = array<i32>} : memref<512x64xf32, #tpu.memory_space<vmem>>, vector<16xf32>,
      %select_n3A_404 = arith.select %eq3A_397, %get3A_7, %get3A_15 : vector<16xi1>, vector<16xf32>
      %add3A_405 = arith.constant 12 : i32
      %add3A_406 = arith.addi %mul3A_46, %add3A_405 : i32
      %swap3A_407 = arith.index_cast %add3A_406 : i32 to index
      %swap3A_408 = arith.constant 16 : index
      %swap3A_409 = tpu.vector_load %arg10[%swap3A_407, %swap3A_408] {strides = array<i32>} : memref<512x64xf32, #tpu.memory_space<vmem>>, vector<16xf32>,
      tpu.vector_store %arg10[%swap3A_407, %swap3A_408], %select_n3A_404 {strides = array<i32>} : memref<512x64xf32, #tpu.memory_space<vmem>>, vector<16xf32>,
      %select_n3A_410 = arith.select %eq3A_397, %get3A_9, %get3A_17 : vector<16xi1>, vector<16xf32>
      %add3A_411 = arith.constant 12 : i32
      %add3A_412 = arith.addi %mul3A_46, %add3A_411 : i32
      %swap3A_413 = arith.index_cast %add3A_412 : i32 to index
      %swap3A_414 = arith.constant 32 : index
      %swap3A_415 = tpu.vector_load %arg10[%swap3A_413, %swap3A_414] {strides = array<i32>} : memref<512x64xf32, #tpu.memory_space<vmem>>, vector<16xf32>,
      tpu.vector_store %arg10[%swap3A_413, %swap3A_414], %select_n3A_410 {strides = array<i32>} : memref<512x64xf32, #tpu.memory_space<vmem>>, vector<16xf32>,
      %select_n3A_416 = arith.select %eq3A_397, %get3A_11, %get3A_19 : vector<16xi1>, vector<16xf32>
      %add3A_417 = arith.constant 12 : i32
      %add3A_418 = arith.addi %mul3A_46, %add3A_417 : i32
      %swap3A_419 = arith.index_cast %add3A_418 : i32 to index
      %swap3A_420 = arith.constant 48 : index
      %swap3A_421 = tpu.vector_load %arg10[%swap3A_419, %swap3A_420] {strides = array<i32>} : memref<512x64xf32, #tpu.memory_space<vmem>>, vector<16xf32>,
      tpu.vector_store %arg10[%swap3A_419, %swap3A_420], %select_n3A_416 {strides = array<i32>} : memref<512x64xf32, #tpu.memory_space<vmem>>, vector<16xf32>,
      %broadcast_in_dim3A_422 = arith.constant 13 : i32
      %broadcast_in_dim3A_423 = vector.broadcast %broadcast_in_dim3A_422 : i32 to vector<16x1xi32>
      %gather3A_424 = vector.shape_cast %broadcast_in_dim3A_423 : vector<16x1xi32> to vector<16xi32>
      %gather3A_425 = tpu.dynamic_gather %get3A_48[%gather3A_424] in [0] : vector<16xi32>, vector<16xi32> -> vector<16xi32>
      %eq3A_426 = arith.cmpi eq, %gather3A_425, %broadcast_in_dim3A_20 : vector<16xi32>
      %select_n3A_427 = arith.select %eq3A_426, %get3A_5, %get3A_13 : vector<16xi1>, vector<16xf32>
      %add3A_428 = arith.constant 13 : i32
      %add3A_429 = arith.addi %mul3A_46, %add3A_428 : i32
      %swap3A_430 = arith.index_cast %add3A_429 : i32 to index
      %swap3A_431 = arith.constant 0 : index
      %swap3A_432 = tpu.vector_load %arg10[%swap3A_430, %swap3A_431] {strides = array<i32>} : memref<512x64xf32, #tpu.memory_space<vmem>>, vector<16xf32>,
      tpu.vector_store %arg10[%swap3A_430, %swap3A_431], %select_n3A_427 {strides = array<i32>} : memref<512x64xf32, #tpu.memory_space<vmem>>, vector<16xf32>,
      %select_n3A_433 = arith.select %eq3A_426, %get3A_7, %get3A_15 : vector<16xi1>, vector<16xf32>
      %add3A_434 = arith.constant 13 : i32
      %add3A_435 = arith.addi %mul3A_46, %add3A_434 : i32
      %swap3A_436 = arith.index_cast %add3A_435 : i32 to index
      %swap3A_437 = arith.constant 16 : index
      %swap3A_438 = tpu.vector_load %arg10[%swap3A_436, %swap3A_437] {strides = array<i32>} : memref<512x64xf32, #tpu.memory_space<vmem>>, vector<16xf32>,
      tpu.vector_store %arg10[%swap3A_436, %swap3A_437], %select_n3A_433 {strides = array<i32>} : memref<512x64xf32, #tpu.memory_space<vmem>>, vector<16xf32>,
      %select_n3A_439 = arith.select %eq3A_426, %get3A_9, %get3A_17 : vector<16xi1>, vector<16xf32>
      %add3A_440 = arith.constant 13 : i32
      %add3A_441 = arith.addi %mul3A_46, %add3A_440 : i32
      %swap3A_442 = arith.index_cast %add3A_441 : i32 to index
      %swap3A_443 = arith.constant 32 : index
      %swap3A_444 = tpu.vector_load %arg10[%swap3A_442, %swap3A_443] {strides = array<i32>} : memref<512x64xf32, #tpu.memory_space<vmem>>, vector<16xf32>,
      tpu.vector_store %arg10[%swap3A_442, %swap3A_443], %select_n3A_439 {strides = array<i32>} : memref<512x64xf32, #tpu.memory_space<vmem>>, vector<16xf32>,
      %select_n3A_445 = arith.select %eq3A_426, %get3A_11, %get3A_19 : vector<16xi1>, vector<16xf32>
      %add3A_446 = arith.constant 13 : i32
      %add3A_447 = arith.addi %mul3A_46, %add3A_446 : i32
      %swap3A_448 = arith.index_cast %add3A_447 : i32 to index
      %swap3A_449 = arith.constant 48 : index
      %swap3A_450 = tpu.vector_load %arg10[%swap3A_448, %swap3A_449] {strides = array<i32>} : memref<512x64xf32, #tpu.memory_space<vmem>>, vector<16xf32>,
      tpu.vector_store %arg10[%swap3A_448, %swap3A_449], %select_n3A_445 {strides = array<i32>} : memref<512x64xf32, #tpu.memory_space<vmem>>, vector<16xf32>,
      %broadcast_in_dim3A_451 = arith.constant 14 : i32
      %broadcast_in_dim3A_452 = vector.broadcast %broadcast_in_dim3A_451 : i32 to vector<16x1xi32>
      %gather3A_453 = vector.shape_cast %broadcast_in_dim3A_452 : vector<16x1xi32> to vector<16xi32>
      %gather3A_454 = tpu.dynamic_gather %get3A_48[%gather3A_453] in [0] : vector<16xi32>, vector<16xi32> -> vector<16xi32>
      %eq3A_455 = arith.cmpi eq, %gather3A_454, %broadcast_in_dim3A_20 : vector<16xi32>
      %select_n3A_456 = arith.select %eq3A_455, %get3A_5, %get3A_13 : vector<16xi1>, vector<16xf32>
      %add3A_457 = arith.constant 14 : i32
      %add3A_458 = arith.addi %mul3A_46, %add3A_457 : i32
      %swap3A_459 = arith.index_cast %add3A_458 : i32 to index
      %swap3A_460 = arith.constant 0 : index
      %swap3A_461 = tpu.vector_load %arg10[%swap3A_459, %swap3A_460] {strides = array<i32>} : memref<512x64xf32, #tpu.memory_space<vmem>>, vector<16xf32>,
      tpu.vector_store %arg10[%swap3A_459, %swap3A_460], %select_n3A_456 {strides = array<i32>} : memref<512x64xf32, #tpu.memory_space<vmem>>, vector<16xf32>,
      %select_n3A_462 = arith.select %eq3A_455, %get3A_7, %get3A_15 : vector<16xi1>, vector<16xf32>
      %add3A_463 = arith.constant 14 : i32
      %add3A_464 = arith.addi %mul3A_46, %add3A_463 : i32
      %swap3A_465 = arith.index_cast %add3A_464 : i32 to index
      %swap3A_466 = arith.constant 16 : index
      %swap3A_467 = tpu.vector_load %arg10[%swap3A_465, %swap3A_466] {strides = array<i32>} : memref<512x64xf32, #tpu.memory_space<vmem>>, vector<16xf32>,
      tpu.vector_store %arg10[%swap3A_465, %swap3A_466], %select_n3A_462 {strides = array<i32>} : memref<512x64xf32, #tpu.memory_space<vmem>>, vector<16xf32>,
      %select_n3A_468 = arith.select %eq3A_455, %get3A_9, %get3A_17 : vector<16xi1>, vector<16xf32>
      %add3A_469 = arith.constant 14 : i32
      %add3A_470 = arith.addi %mul3A_46, %add3A_469 : i32
      %swap3A_471 = arith.index_cast %add3A_470 : i32 to index
      %swap3A_472 = arith.constant 32 : index
      %swap3A_473 = tpu.vector_load %arg10[%swap3A_471, %swap3A_472] {strides = array<i32>} : memref<512x64xf32, #tpu.memory_space<vmem>>, vector<16xf32>,
      tpu.vector_store %arg10[%swap3A_471, %swap3A_472], %select_n3A_468 {strides = array<i32>} : memref<512x64xf32, #tpu.memory_space<vmem>>, vector<16xf32>,
      %select_n3A_474 = arith.select %eq3A_455, %get3A_11, %get3A_19 : vector<16xi1>, vector<16xf32>
      %add3A_475 = arith.constant 14 : i32
      %add3A_476 = arith.addi %mul3A_46, %add3A_475 : i32
      %swap3A_477 = arith.index_cast %add3A_476 : i32 to index
      %swap3A_478 = arith.constant 48 : index
      %swap3A_479 = tpu.vector_load %arg10[%swap3A_477, %swap3A_478] {strides = array<i32>} : memref<512x64xf32, #tpu.memory_space<vmem>>, vector<16xf32>,
      tpu.vector_store %arg10[%swap3A_477, %swap3A_478], %select_n3A_474 {strides = array<i32>} : memref<512x64xf32, #tpu.memory_space<vmem>>, vector<16xf32>,
      %broadcast_in_dim3A_480 = arith.constant 15 : i32
      %broadcast_in_dim3A_481 = vector.broadcast %broadcast_in_dim3A_480 : i32 to vector<16x1xi32>
      %gather3A_482 = vector.shape_cast %broadcast_in_dim3A_481 : vector<16x1xi32> to vector<16xi32>
      %gather3A_483 = tpu.dynamic_gather %get3A_48[%gather3A_482] in [0] : vector<16xi32>, vector<16xi32> -> vector<16xi32>
      %eq3A_484 = arith.cmpi eq, %gather3A_483, %broadcast_in_dim3A_20 : vector<16xi32>
      %select_n3A_485 = arith.select %eq3A_484, %get3A_5, %get3A_13 : vector<16xi1>, vector<16xf32>
      %add3A_486 = arith.constant 15 : i32
      %add3A_487 = arith.addi %mul3A_46, %add3A_486 : i32
      %swap3A_488 = arith.index_cast %add3A_487 : i32 to index
      %swap3A_489 = arith.constant 0 : index
      %swap3A_490 = tpu.vector_load %arg10[%swap3A_488, %swap3A_489] {strides = array<i32>} : memref<512x64xf32, #tpu.memory_space<vmem>>, vector<16xf32>,
      tpu.vector_store %arg10[%swap3A_488, %swap3A_489], %select_n3A_485 {strides = array<i32>} : memref<512x64xf32, #tpu.memory_space<vmem>>, vector<16xf32>,
      %select_n3A_491 = arith.select %eq3A_484, %get3A_7, %get3A_15 : vector<16xi1>, vector<16xf32>
      %add3A_492 = arith.constant 15 : i32
      %add3A_493 = arith.addi %mul3A_46, %add3A_492 : i32
      %swap3A_494 = arith.index_cast %add3A_493 : i32 to index
      %swap3A_495 = arith.constant 16 : index
      %swap3A_496 = tpu.vector_load %arg10[%swap3A_494, %swap3A_495] {strides = array<i32>} : memref<512x64xf32, #tpu.memory_space<vmem>>, vector<16xf32>,
      tpu.vector_store %arg10[%swap3A_494, %swap3A_495], %select_n3A_491 {strides = array<i32>} : memref<512x64xf32, #tpu.memory_space<vmem>>, vector<16xf32>,
      %select_n3A_497 = arith.select %eq3A_484, %get3A_9, %get3A_17 : vector<16xi1>, vector<16xf32>
      %add3A_498 = arith.constant 15 : i32
      %add3A_499 = arith.addi %mul3A_46, %add3A_498 : i32
      %swap3A_500 = arith.index_cast %add3A_499 : i32 to index
      %swap3A_501 = arith.constant 32 : index
      %swap3A_502 = tpu.vector_load %arg10[%swap3A_500, %swap3A_501] {strides = array<i32>} : memref<512x64xf32, #tpu.memory_space<vmem>>, vector<16xf32>,
      tpu.vector_store %arg10[%swap3A_500, %swap3A_501], %select_n3A_497 {strides = array<i32>} : memref<512x64xf32, #tpu.memory_space<vmem>>, vector<16xf32>,
      %select_n3A_503 = arith.select %eq3A_484, %get3A_11, %get3A_19 : vector<16xi1>, vector<16xf32>
      %add3A_504 = arith.constant 15 : i32
      %add3A_505 = arith.addi %mul3A_46, %add3A_504 : i32
      %swap3A_506 = arith.index_cast %add3A_505 : i32 to index
      %swap3A_507 = arith.constant 48 : index
      %swap3A_508 = tpu.vector_load %arg10[%swap3A_506, %swap3A_507] {strides = array<i32>} : memref<512x64xf32, #tpu.memory_space<vmem>>, vector<16xf32>,
      tpu.vector_store %arg10[%swap3A_506, %swap3A_507], %select_n3A_503 {strides = array<i32>} : memref<512x64xf32, #tpu.memory_space<vmem>>, vector<16xf32>,
    }
    %scan3A_25 = arith.constant 32 : i32
    %dma_wait3A = arith.constant 0 : i32
    %dma_wait3A_26 = arith.constant 0 : i32
    %dma_wait3A_27 = tpu.memref_slice %arg5[%dma_wait3A, %dma_wait3A_26] : memref<1000x64xf32, #tpu.memory_space<hbm>> -> memref<1000x64xf32, #tpu.memory_space<hbm>>
    tpu.wait_indirect_dma semaphore(%arg12 : memref<!tpu.dma_semaphore, #tpu.memory_space<semaphore_mem>>) src(%dma_wait3A_27 : memref<1000x64xf32, #tpu.memory_space<hbm>>) dst(%arg11 : memref<512x64xf32, #tpu.memory_space<vmem>>)
    %dma_start3A_28 = arith.constant 64 : i32
    %dma_start3A_29 = tpu.memref_slice %arg6[%mul3A_2, %dma_start3A_28] : memref<16384x128xf32, #tpu.memory_space<hbm>> -> memref<512x64xf32, #tpu.memory_space<hbm>>
    %dma_start3A_30 = arith.constant 64 : i32
    %dma_start3A_31 = tpu.memref_slice %arg6[%mul3A_2, %dma_start3A_30] : memref<16384x128xf32, #tpu.memory_space<hbm>> -> memref<512x64xf32, #tpu.memory_space<hbm>>
    tpu.enqueue_dma source(%arg11 : memref<512x64xf32, #tpu.memory_space<vmem>>) target(%dma_start3A_31 : memref<512x64xf32, #tpu.memory_space<hbm>>) target_semaphore(%arg12 : memref<!tpu.dma_semaphore, #tpu.memory_space<semaphore_mem>>)
    %dma_start3A_32 = arith.constant 0 : i32
    %dma_start3A_33 = tpu.memref_slice %arg6[%mul3A_2, %dma_start3A_32] : memref<16384x128xf32, #tpu.memory_space<hbm>> -> memref<512x64xf32, #tpu.memory_space<hbm>>
    %dma_start3A_34 = arith.constant 0 : i32
    %dma_start3A_35 = tpu.memref_slice %arg6[%mul3A_2, %dma_start3A_34] : memref<16384x128xf32, #tpu.memory_space<hbm>> -> memref<512x64xf32, #tpu.memory_space<hbm>>
    tpu.enqueue_dma source(%arg10 : memref<512x64xf32, #tpu.memory_space<vmem>>) target(%dma_start3A_35 : memref<512x64xf32, #tpu.memory_space<hbm>>) target_semaphore(%arg12 : memref<!tpu.dma_semaphore, #tpu.memory_space<semaphore_mem>>)
    %dma_wait3A_36 = arith.constant 64 : i32
    %dma_wait3A_37 = tpu.memref_slice %arg6[%mul3A_2, %dma_wait3A_36] : memref<16384x128xf32, #tpu.memory_space<hbm>> -> memref<512x64xf32, #tpu.memory_space<hbm>>
    %dma_wait3A_38 = arith.constant 64 : i32
    %dma_wait3A_39 = tpu.memref_slice %arg6[%mul3A_2, %dma_wait3A_38] : memref<16384x128xf32, #tpu.memory_space<hbm>> -> memref<512x64xf32, #tpu.memory_space<hbm>>
    tpu.wait_dma2 semaphore(%arg12 : memref<!tpu.dma_semaphore, #tpu.memory_space<semaphore_mem>>) src(%arg11 : memref<512x64xf32, #tpu.memory_space<vmem>>) dst(%dma_wait3A_39 : memref<512x64xf32, #tpu.memory_space<hbm>>)
    %dma_wait3A_40 = arith.constant 0 : i32
    %dma_wait3A_41 = tpu.memref_slice %arg6[%mul3A_2, %dma_wait3A_40] : memref<16384x128xf32, #tpu.memory_space<hbm>> -> memref<512x64xf32, #tpu.memory_space<hbm>>
    %dma_wait3A_42 = arith.constant 0 : i32
    %dma_wait3A_43 = tpu.memref_slice %arg6[%mul3A_2, %dma_wait3A_42] : memref<16384x128xf32, #tpu.memory_space<hbm>> -> memref<512x64xf32, #tpu.memory_space<hbm>>
    tpu.wait_dma2 semaphore(%arg12 : memref<!tpu.dma_semaphore, #tpu.memory_space<semaphore_mem>>) src(%arg10 : memref<512x64xf32, #tpu.memory_space<vmem>>) dst(%dma_wait3A_43 : memref<512x64xf32, #tpu.memory_space<hbm>>)
    return
  }
}

module attributes {stable_mosaic.version = 14 : i64} {
  func.func @_concat_body(%arg0: i32, %arg1: memref<8192x128xf32, #tpu.memory_space<vmem>>, %arg2: memref<8192x16xf32, #tpu.memory_space<vmem>>, %arg3: memref<8192x144xf32, #tpu.memory_space<vmem>>) attributes {dimension_semantics = [#tpu.dimension_semantics<arbitrary>], iteration_bounds = array<i64: 2>, scalar_prefetch = 0 : i64, scratch_operands = 0 : i64, tpu.core_type = #tpu.core_type<tc>, window_params = [{transform_indices = @transform_0, window_bounds = array<i64: 8192, 128>}, {transform_indices = @transform_1, window_bounds = array<i64: 8192, 16>}, {transform_indices = @transform_2, window_bounds = array<i64: 8192, 144>}]} {
    %get3A = arith.constant 0 : index
    %get3A_0 = arith.constant 0 : index
    %get3A_1 = vector.load %arg1[%get3A, %get3A_0] : memref<8192x128xf32, #tpu.memory_space<vmem>>, vector<8192x128xf32>
    %get3A_2 = arith.constant 0 : index
    %get3A_3 = arith.constant 0 : index
    %get3A_4 = vector.load %arg2[%get3A_2, %get3A_3] : memref<8192x16xf32, #tpu.memory_space<vmem>>, vector<8192x16xf32>
    %concatenate3A = tpu.concatenate %get3A_1, %get3A_4 in 1 : vector<8192x128xf32>, vector<8192x16xf32> -> vector<8192x144xf32>
    %swap3A = arith.constant 0 : index
    %swap3A_5 = arith.constant 0 : index
    %swap3A_6 = vector.load %arg3[%swap3A, %swap3A_5] : memref<8192x144xf32, #tpu.memory_space<vmem>>, vector<8192x144xf32>
    tpu.vector_store %arg3[%swap3A, %swap3A_5], %concatenate3A {strides = array<i32>} : memref<8192x144xf32, #tpu.memory_space<vmem>>, vector<8192x144xf32>,
    return
  }
  func.func @transform_0(%arg0: i32) -> (i32, i32) {
    %c0_i32 = arith.constant 0 : i32
    %c0_i32_0 = arith.constant 0 : i32
    return %arg0, %c0_i32 : i32, i32
  }
  func.func @transform_1(%arg0: i32) -> (i32, i32) {
    %c0_i32 = arith.constant 0 : i32
    %c0_i32_0 = arith.constant 0 : i32
    return %arg0, %c0_i32 : i32, i32
  }
  func.func @transform_2(%arg0: i32) -> (i32, i32) {
    %c0_i32 = arith.constant 0 : i32
    %c0_i32_0 = arith.constant 0 : i32
    return %arg0, %c0_i32 : i32, i32
  }
}

</mosaic_0001>

<sc_bundles>
// kernel: kernel.4.cloned.1.call-start
scs
__scs_entry_jumppad:
0x0: {  	(pc) =	sbr.rel $0x88, $3  }
0x1: {  	(tag) =	ssettag $0x0;
	lr =	simm.s32 $0x1  }
0x2: {  	[smem:$0x3F9C] =	sst lr;
	_ =	strace $0xD0000000  }
0x3: {  	_ = 	snop  }
0x4: {  	_ = 	snop  }
0x5: {  	_ = 	snop  }
0x6: {  	_ = 	snop  }
0x7: {  	_ = 	snop  }
__scs_overlays_trampoline_lowered:
0x8: {  	[smem:$0x3FAB] =	sst s0  }
0x9: {  	[smem:$0x3FAC] =	sst s1  }
0xa: {  	[smem:$0x3FAD] =	sst s2  }
0xb: {  	[smem:$0x3FAE] =	sst s3  }
0xc: {  	[smem:$0x3FAF] =	sst s4  }
0xd: {  	[smem:$0x3FB0] =	sst s5  }
0xe: {  	[smem:$0x3FB1] =	sst s6  }
0xf: {  	[smem:$0x3FB2] =	sst s7  }
0x10: {  	[smem:$0x3FB3] =	sst s8  }
0x11: {  	[smem:$0x3FB4] =	sst s9;
	s0 =	simm.s32 @!p0 $0x0  }
0x12: {  	s1 =	sld [smem:$0x3F9A];
	s0 =	simm.s32 @p0 $0x1  }
0x13: {  	[smem:$0x3FB5] =	sst s0;
	s0 =	simm.s32 @!p1 $0x0  }
0x14: {  	s2 =	sld [smem:$0x3F99];
	s0 =	simm.s32 @p1 $0x1  }
0x15: {  	[smem:$0x3FB6] =	sst s0;
	s0 =	simm.s32 @!p2 $0x0  }
0x16: {  	s3 =	sld [smem:$0x3FDB];
	s0 =	simm.s32 @p2 $0x1  }
0x17: {  	s4 =	simm.s32 $0x1BF5;
	[smem:$0x3FB8] =	sst s0  }
0x18: {  	s0 =	sld [smem:$0x3F9B];
	_ =	swait.ge [sflag:s4], $0x0  }
0x19: {  	s7 =	sld [smem:$0x3F9C]  }
0x1a: {  	s8 =	sadd.s32 $0xFFFFE003, lr  }
0x1b: {  	s9 =	sadd.s32 $0xFFFFFEF7, lr;
	s5 =	simm.s32 $0xFFFFFFFF;
	p2 =	slt.u32 s8, $0xFFFFF086  }
0x1c: {  	p1 =	slt.u32 s9, $0xF7A;
	s5 =	simm.s32 @!p2 $0x0  }
0x1d: {  	s5 =	simm.s32 @p1 $0x1;
	p0 =	seq.s32 s7, s2  }
0x1e: {  	s7 =	smul.u32 @!p0 $0xF7A, s2;
	p2 =	seq.s32 @!p0 s5, $0x0  }
0x1f: {  	s9 =	smul.u32 $0xF7A, s1;
	s8 =	simm.s32 @!p0 $0x1BF5;
	p2 =	por !p2, p0  }
0x20: {  	[sflag:s8] =	ssyncset.s32 @!p0 $0xFFFFF086;
	s6 =	sadd.s32 @!p0 s3, s7;
	s7 =	simm.s32 @!p0 $0x108  }
0x21: {  	s3 =	sadd.s32 s3, s9;
	s6 =	sadd.s32 @!p0 $0x88, s6;
	s7 =	simm.s32 @p2 $0x1082  }
0x22: {  	[simem:s7], [sflag:s8] =	dma.local @!p0 [hbm:s6], $0xF7A  }
0x23: {  	s9 =	sor.u32 $0xD0000000, s2;
	s6 =	simm.s32 $0x108;
	_ =	swait.ge @!p0 [sflag:s8], $0x0  }
0x24: {  	s3 =	sadd.s32 $0x88, s3;
	s6 =	simm.s32 @!p1 $0x1082;
	[sflag:s4] =	ssyncset.s32 $0xFFFFF086  }
0x25: {  	[simem:s6], [sflag:s4] =	dma.local [hbm:s3], $0xF7A  }
0x26: {  	[smem:$0x3F9C] =	sst s1;
	(tag) =	ssettag s2;
	_ =	strace s9  }
0x27: {  	s1 =	sld [smem:$0x3FAC]  }
0x28: {  	s2 =	sld [smem:$0x3FAD]  }
0x29: {  	s4 =	sld [smem:$0x3FAF]  }
0x2a: {  	p0 =	seq.s32 s5, $0x0;
	s5 =	sld [smem:$0x3FB0]  }
0x2b: {  	s6 =	sld [smem:$0x3FB1]  }
0x2c: {  	s7 =	sld [smem:$0x3FB2]  }
0x2d: {  	s3 =	simm.s32 $0x108;
	s8 =	sld [smem:$0x3FB3]  }
0x2e: {  	s3 =	simm.s32 @!p0 $0x1082;
	s9 =	sld [smem:$0x3FB4]  }
0x2f: {  	lr =	sadd.s32 s0, s3;
	s0 =	sld [smem:$0x3FAB]  }
0x30: {  	s3 =	sld [smem:$0x3FAE]  }
0x31: {  	[smem:$0x3FB7] =	sst s10  }
0x32: {  	s10 =	sld [smem:$0x3FB5];
	_ =	sdelay $0x3  }
0x33: {  	p0 =	seq.s32 s10, $0x1;
	s10 =	sld [smem:$0x3FB7];
	_ =	sdelay $0x3  }
0x34: {  	[smem:$0x3FB7] =	sst s10  }
0x35: {  	s10 =	sld [smem:$0x3FB6];
	_ =	sdelay $0x3  }
0x36: {  	p1 =	seq.s32 s10, $0x1;
	s10 =	sld [smem:$0x3FB7];
	_ =	sdelay $0x3  }
0x37: {  	[smem:$0x3FB7] =	sst s10  }
0x38: {  	s10 =	sld [smem:$0x3FB8]  }
0x39: {  	_ = 	snop;
	(pc) =	sbr.ind lr, $3  }
0x3a: {  	_ = 	snop  }
0x3b: {  	_ = 	snop  }
0x3c: {  	p2 =	seq.s32 s10, $0x1;
	s10 =	sld [smem:$0x3FB7]  }
0x3d: {  	_ =	shalt  }
0x3e: {  	_ =	shalt  }
0x3f: {  	_ =	shalt  }
0x40: {  	_ =	shalt  }
0x41: {  	_ =	shalt  }
0x42: {  	_ =	shalt  }
0x43: {  	_ =	shalt  }
0x44: {  	_ =	shalt  }
0x45: {  	_ =	shalt  }
0x46: {  	_ =	shalt  }
0x47: {  	_ =	shalt  }
0x48: {  	_ =	shalt  }
0x49: {  	_ =	shalt  }
0x4a: {  	_ =	shalt  }
0x4b: {  	_ =	shalt  }
0x4c: {  	_ =	shalt  }
0x4d: {  	_ =	shalt  }
0x4e: {  	_ =	shalt  }
0x4f: {  	_ =	shalt  }
0x50: {  	_ =	shalt  }
0x51: {  	_ =	shalt  }
0x52: {  	_ =	shalt  }
0x53: {  	_ =	shalt  }
0x54: {  	_ =	shalt  }
0x55: {  	_ =	shalt  }
0x56: {  	_ =	shalt  }
0x57: {  	_ =	shalt  }
0x58: {  	_ =	shalt  }
0x59: {  	_ =	shalt  }
0x5a: {  	_ =	shalt  }
0x5b: {  	_ =	shalt  }
0x5c: {  	_ =	shalt  }
0x5d: {  	_ =	shalt  }
0x5e: {  	_ =	shalt  }
0x5f: {  	_ =	shalt  }
0x60: {  	_ =	shalt  }
0x61: {  	_ =	shalt  }
0x62: {  	_ =	shalt  }
0x63: {  	_ =	shalt  }
0x64: {  	_ =	shalt  }
0x65: {  	_ =	shalt  }
0x66: {  	_ =	shalt  }
0x67: {  	_ =	shalt  }
0x68: {  	_ =	shalt  }
0x69: {  	_ =	shalt  }
0x6a: {  	_ =	shalt  }
0x6b: {  	_ =	shalt  }
0x6c: {  	_ =	shalt  }
0x6d: {  	_ =	shalt  }
0x6e: {  	_ =	shalt  }
0x6f: {  	_ =	shalt  }
0x70: {  	_ =	shalt  }
0x71: {  	_ =	shalt  }
0x72: {  	_ =	shalt  }
0x73: {  	_ =	shalt  }
0x74: {  	_ =	shalt  }
0x75: {  	_ =	shalt  }
0x76: {  	_ =	shalt  }
0x77: {  	_ =	shalt  }
0x78: {  	_ =	shalt  }
0x79: {  	_ =	shalt  }
0x7a: {  	_ =	shalt  }
0x7b: {  	_ =	shalt  }
0x7c: {  	_ =	shalt  }
0x7d: {  	_ =	shalt  }
0x7e: {  	_ =	shalt  }
0x7f: {  	_ =	shalt  }
0x80: {  	_ =	shalt  }
0x81: {  	_ =	shalt  }
0x82: {  	_ =	shalt  }
0x83: {  	_ =	shalt  }
0x84: {  	_ =	shalt  }
0x85: {  	_ =	shalt  }
0x86: {  	_ =	shalt  }
0x87: {  	_ =	shalt  }
.Lfunc_end0:
.L_simem_size_0:
called_computation_lowered:
.L_overlay_start_0:
0x88: {  	s2 =	sld [smem:$0x3FD9]  }
0x89: {  	s3 =	sld [smem:$0x3FFE];
	_ =	sdelay $0x1  }
0x8a: {  	s1 =	srdreg.scid  }
0x8b: {  	s0 =	sand.u32 $0x1, s1  }
0x8c: {  	s17 =	sshll.u32 s0, $0xA;
	s2 =	sadd.s32 s3, s2  }
0x8d: {  	s2 =	sadd.s32 s2, s17  }
0x8e: {  	[smem:$0x3FC3] =	sst s2  }
0x8f: {  	_ = 	snop  }
0x90: {  	s2 =	sld [smem:$0x3FC9]  }
0x91: {  	s18 =	sld [smem:$0x3FC8]  }
0x92: {  	s4 =	sld [smem:$0x3FD0];
	(tm) =	ssettm $0x1  }
0x93: {  	s5 =	sld [smem:$0x3FFB];
	_ =	sdelay $0x3  }
0x94: {  	_ =	strace s5  }
0x95: {  	s5 =	sld [smem:$0x3FFC];
	_ =	sdelay $0x3  }
0x96: {  	_ =	strace s5  }
0x97: {  	s5 =	sld [smem:$0x3FFD];
	_ =	sdelay $0x3  }
0x98: {  	_ =	strace s5  }
0x99: {  	_ =	strace $0x8FFFFFFF  }
0x9a: {  	s19 =	sld [smem:$0x3FDB];
	_ =	sdelay $0x1  }
0x9b: {  	s6 =	simm.s32 $_scs_section_size  }
0x9c: {  	s7 =	simm.s32 $_size__tile_overlayer_lowered;
	s8 =	simm.s32 $_tile_overlayer_lowered  }
0x9d: {  	s22 =	simm.s32 $0x1BFF;
	s21 =	sshll.u32 s8, $0x1;
	s5 =	sadd.s32 s6, s19  }
0x9e: {  	s9 =	simm.s32 $0x0;
	s20 =	sshll.u32 s7, $0x1;
	s7 =	sadd.s32 s21, s5  }
0x9f: {  	[timem:s9], [sflag:s22] =	dma.local [hbm:s7], s20  }
0xa0: {  	_ =	swait.ge [sflag:s22], s20  }
0xa1: {  	s6 =	ssub.s32 $0x0, s20;
	[sflag:s22] =	ssyncset.done $0x0  }
0xa2: {  	[sflag:s22] =	ssyncadd.s32 s6;
	_ =	sdelay $0x1  }
0xa3: {  	s23 =	simm.s32 $0x1B8B  }
0xa4: {  	_ =	swait.ge [sflag:s23], $0x1  }
0xa5: {  	[sflag:s23] =	ssyncset.done $0x0  }
0xa6: {  	s25 =	simm.s32 $0x1B8E;
	s24 =	sld [smem:$0x3FFE];
	[sflag:s23] =	ssyncadd.s32 $0xFFFFFFFF  }
0xa7: {  	s26 =	simm.s32 $execute0_lowered;
	[smem:$0x3FD2] =	sst s25  }
0xa8: {  	s7 =	sshll.u32 s26, $0x1;
	_ =	strace $0x80000046;
	[dreg:$0x1] =	wrdreg $0xFFFFFFFF  }
0xa9: {  	s28 =	simm.s32 $_size_execute0_lowered;
	s5 =	sadd.s32 s5, s7;
	[dreg:$0x0] =	wrdreg $0x0  }
0xaa: {  	s7 =	sshll.u32 s28, $0x1;
	[dreg:$0x2] =	wrdreg s5  }
0xab: {  	[dreg:$0x3] =	wrdreg s7  }
0xac: {  	[dreg:$0x4] =	wrdreg $0xC0  }
0xad: {  	_ =	task [dreg:s9], $0x5FFFF  }
0xae: {  	[dreg:$0x1] =	wrdreg $0xFFFFFFFF  }
0xaf: {  	[dreg:$0x0] =	wrdreg $0x60  }
0xb0: {  	[dreg:$0x2] =	wrdreg s2  }
0xb1: {  	[dreg:$0x3] =	wrdreg s18  }
0xb2: {  	[dreg:$0x4] =	wrdreg s24  }
0xb3: {  	[dreg:$0x5] =	wrdreg s4  }
0xb4: {  	[dreg:$0x6] =	wrdreg $0x9  }
0xb5: {  	_ =	task.clear_ibuf [dreg:s9], $0x7FFFF;
	_ =	strace $0x90000046  }
0xb6: {  	s29 =	simm.s32 $0x9;
	_ =	strace $0x80000048  }
0xb7: {  	_ =	swait.ge [sflag:s29], $0x1  }
0xb8: {  	[sflag:s29] =	ssyncadd.s32 $0xFFFFFFFF  }
0xb9: {  	_ =	strace $0x90000048  }
0xba: {  	_ =	sfence  }
0xbb: {  	s30 =	sld [smem:$0x0];
	_ =	sdelay $0x2  }
0xbc: {  	s31 =	sshll.u32 s1, $0xD;
	s1 =	sshrl.u32 s1, $0x2  }
0xbd: {  	s3 =	sand.u32 $0x4000, s31;
	s1 =	sadd.s32 s1, s30  }
0xbe: {  	s0 =	sor.u32 s3, s0;
	s1 =	sshll.u32 s1, $0x11  }
0xbf: {  	s0 =	sor.u32 s1, s0  }
0xc0: {  	s0 =	sadd.s32 $0x8F2B, s0  }
0xc1: {  	[sflag:s0] =	ssyncadd.remote.s32 $0x1  }
0xc2: {  	_ =	sfence.sel $0xFFFF  }
0xc3: {  	[dreg:$0x0] =	wrdreg $0xFFFFFFFF;
	(pc) =	sbr.abs _section_cstart, $3  }
0xc4: {  	[dreg:$0x1] =	wrdreg $0xFFFFFFFF  }
0xc5: {  	_ =	task.clear_ibuf [dreg:s9], $0x2FFFF;
	_ =	strace $0x9FFFFFFF  }
0xc6: {  	(tm) =	ssettm $0x7FFFFFFF  }
0xc7: {  	_ =	shalt  }
tec
execute0_lowered:
.L_overlay_start_1:
0x0: {  	(tag) =	ssettag $0x1  }
0x1: {  	s5 =	rddreg [dreg:$0x0]  }
0x2: {  	s7 =	rddreg [dreg:$0x1]  }
0x3: {  	s4 =	rddreg [dreg:$0x2]  }
0x4: {  	s6 =	rddreg [dreg:$0x3]  }
0x5: {  	s0 =	rddreg [dreg:$0x4]  }
0x6: {  	s2 =	simm.s32 $0x0;
	s3 =	srdreg.scid;
	s1 =	stileid.u32  }
0x7: {  	s12 =	simm.s32 $0x400;
	s13 =	simm.s32 $0x8480;
	s14 =	simm.s32 $0x1  }
0x8: {  	s15 =	simm.s32 $0x40;
	s16 =	simm.s32 $0x80;
	s17 =	simm.s32 $0x480  }
0x9: {  	s18 =	simm.s32 $0x0;
	[smem:$0x7FF] =	sst s2;
	s8 =	sand.u32 $0x1, s3  }
0xa: {  	v0 =	vimm.s32 $0x0;
	s3 =	sadd.s32 $0x800, s4;
	s9 =	sshll.u32 s1, $0xA;
	s10 =	sshll.u32 s8, $0x9  }
0xb: {  	v1 =	vimm.s32 $0x1;
	v2 =	vimm.s32 $0x2;
	v3 =	vimm.s32 $0x3;
	s4 =	sadd.s32 $0xA00, s4;
	s8 =	ssub.s32 $0x2, s8;
	s9 =	sor.u32 s10, s9  }
0xc: {  	v4 =	vimm.s32 $0x4;
	v5 =	vimm.s32 $0x5;
	v6 =	vimm.s32 $0x6;
	_ =	strace $0x80000047;
	s31 =	sshrl.u32 s8, $0x1;
	s11 =	sshrl.u32 s9, $0x3  }
0xd: {  	v7 =	vimm.s32 $0x7;
	v8 =	vimm.s32 $0x8;
	v9 =	vimm.s32 $0x9;
	s9 =	sshll.u32 s9, $0x4;
	s10 =	ssub.s32 s8, s31;
	s5 =	sadd.s32 s5, s11  }
0xe: {  	v10 =	vimm.s32 $0xA;
	v11 =	vimm.s32 $0xB;
	v12 =	vimm.s32 $0xC;
	s6 =	sadd.s32 s6, s9;
	s7 =	sadd.s32 s7, s11;
	s9 =	smax.u32 s10, $0x1  }
0xf: {  	v13 =	vimm.s32 $0xD;
	v14 =	vimm.s32 $0xE;
	v15 =	vimm.s32 $0xF;
	s10 =	simm.s32 $0x2;
	s11 =	simm.s32 $0x200;
	s8 =	sadd.s32 $0x8, s6  }
.LBB2_1:
0x10: {  	[tilespmem:s2], [sflag:$0x2] =	stream.linear.gather [hbm4b:s5+s2], $0x200, $0x38;
	[tilespmem:$0x10480] =	vst v63  }
0x11: {  	_ =	swait.ge [sflag:s10], $0x200  }
0x12: {  	[sflag:s10] =	ssyncset.done $0x0  }
0x13: {  	[sflag:s10] =	ssyncadd.s32 $0xFFFFFE00  }
0x14: {  	[tilespmem:s11], [sflag:$0x2] =	stream.linear.gather [hbm4b:s7+s2], $0x200, $0x38;
	[tilespmem:$0x10480] =	vst v63  }
0x15: {  	_ =	swait.ge [sflag:s10], $0x200  }
0x16: {  	[sflag:s10] =	ssyncset.done $0x0  }
0x17: {  	[sflag:s10] =	ssyncadd.s32 $0xFFFFFE00  }
0x18: {  	[tilespmem:s12], [sflag:$0x2] =	stream.linear.gather [hbm4b:s3+s2], $0x80, $0x38;
	[tilespmem:$0x10480] =	vst v63  }
0x19: {  	_ =	swait.ge [sflag:s10], $0x80  }
0x1a: {  	[sflag:s10] =	ssyncset.done $0x0  }
0x1b: {  	[sflag:s10] =	ssyncadd.s32 $0xFFFFFF80  }
0x1c: {  	[tilespmem:s13], [sflag:$0x1] =	stream.indirect.gather [hbm4b:s4+s11], $0x40, s11, s11, $0xb8;
	[tilespmem:$0x10480] =	vst v63  }
0x1d: {  	v18 =	vld [tilespmem:$0x400]  }
0x1e: {  	s19 =	simm.s32 $0x0;
	v16 =	vld [tilespmem:$0x410]  }
0x1f: {  	v24 =	vld [tilespmem:s19+$0x0]  }
0x20: {  	v19 =	vld [tilespmem:$0x420]  }
0x21: {  	v17 =	vld [tilespmem:$0x430]  }
0x22: {  	v23 =	vld [tilespmem:$0x440]  }
0x23: {  	v22 =	vld [tilespmem:$0x450]  }
0x24: {  	v20 =	vld [tilespmem:$0x460];
	v25 =	vperm.xlane v24, v0  }
0x25: {  	v21 =	vld [tilespmem:$0x470]  }
0x26: {  	vm0 =	veq.s32 v25, $0x0  }
0x27: {  	s19 =	simm.s32 $0x680;
	v25 =	vsel vm0, v18, v23  }
0x28: {  	v26 =	vperm.xlane v24, v1;
	v27 =	vsel vm0, v16, v22;
	[tilespmem:s19+$0xFFFFFE00] =	vst v25  }
0x29: {  	v60 =	vsel vm0, v19, v20;
	[tilespmem:s19+$0xFFFFFE10] =	vst v27  }
0x2a: {  	vm1 =	veq.s32 v26, $0x0;
	v61 =	vsel vm0, v17, v21;
	[tilespmem:s19+$0xFFFFFE20] =	vst v60  }
0x2b: {  	v62 =	vsel vm1, v18, v23;
	[tilespmem:s19+$0xFFFFFE30] =	vst v61  }
0x2c: {  	v63 =	vperm.xlane v24, v2;
	v30 =	vsel vm1, v16, v22;
	[tilespmem:s19+$0xFFFFFE40] =	vst v62  }
0x2d: {  	v31 =	vsel vm1, v19, v20;
	[tilespmem:s19+$0xFFFFFE50] =	vst v30  }
0x2e: {  	vm14 =	veq.s32 v63, $0x0;
	v32 =	vsel vm1, v17, v21;
	[tilespmem:s19+$0xFFFFFE60] =	vst v31  }
0x2f: {  	v33 =	vsel vm14, v18, v23;
	[tilespmem:s19+$0xFFFFFE70] =	vst v32  }
0x30: {  	v34 =	vperm.xlane v24, v3;
	v35 =	vsel vm14, v16, v22;
	[tilespmem:s19+$0xFFFFFE80] =	vst v33  }
0x31: {  	v36 =	vsel vm14, v19, v20;
	[tilespmem:s19+$0xFFFFFE90] =	vst v35  }
0x32: {  	vm15 =	veq.s32 v34, $0x0;
	v37 =	vsel vm14, v17, v21;
	[tilespmem:s19+$0xFFFFFEA0] =	vst v36  }
0x33: {  	v38 =	vsel vm15, v18, v23;
	[tilespmem:s19+$0xFFFFFEB0] =	vst v37  }
0x34: {  	v39 =	vperm.xlane v24, v4;
	v40 =	vsel vm15, v16, v22;
	[tilespmem:s19+$0xFFFFFEC0] =	vst v38  }
0x35: {  	v41 =	vsel vm15, v19, v20;
	[tilespmem:s19+$0xFFFFFED0] =	vst v40  }
0x36: {  	vm4 =	veq.s32 v39, $0x0;
	v42 =	vsel vm15, v17, v21;
	[tilespmem:s19+$0xFFFFFEE0] =	vst v41  }
0x37: {  	v43 =	vsel vm4, v18, v23;
	[tilespmem:s19+$0xFFFFFEF0] =	vst v42  }
0x38: {  	v45 =	vperm.xlane v24, v5;
	v44 =	vsel vm4, v16, v22;
	[tilespmem:s19+$0xFFFFFF00] =	vst v43  }
0x39: {  	v46 =	vsel vm4, v19, v20;
	[tilespmem:s19+$0xFFFFFF10] =	vst v44  }
0x3a: {  	vm5 =	veq.s32 v45, $0x0;
	v47 =	vsel vm4, v17, v21;
	[tilespmem:s19+$0xFFFFFF20] =	vst v46  }
0x3b: {  	v49 =	vperm.xlane v24, v6;
	v48 =	vsel vm5, v18, v23;
	[tilespmem:s19+$0xFFFFFF30] =	vst v47  }
0x3c: {  	v50 =	vsel vm5, v19, v20;
	[tilespmem:s19+$0xFFFFFF40] =	vst v48  }
0x3d: {  	vm6 =	veq.s32 v49, $0x0;
	v51 =	vsel vm5, v17, v21;
	[tilespmem:s19+$0xFFFFFF60] =	vst v50  }
0x3e: {  	v52 =	vsel vm6, v18, v23;
	[tilespmem:s19+$0xFFFFFF70] =	vst v51  }
0x3f: {  	v53 =	vperm.xlane v24, v7;
	v54 =	vsel vm6, v16, v22;
	[tilespmem:s19+$0xFFFFFF80] =	vst v52  }
0x40: {  	v55 =	vsel vm6, v19, v20;
	[tilespmem:s19+$0xFFFFFF90] =	vst v54  }
0x41: {  	vm7 =	veq.s32 v53, $0x0;
	v56 =	vsel vm6, v17, v21;
	[tilespmem:s19+$0xFFFFFFA0] =	vst v55  }
0x42: {  	v57 =	vsel vm7, v18, v23;
	[tilespmem:s19+$0xFFFFFFB0] =	vst v56  }
0x43: {  	v59 =	vsel vm7, v16, v22;
	[tilespmem:s19+$0xFFFFFFC0] =	vst v57  }
0x44: {  	v58 =	vperm.xlane v24, v8;
	v27 =	vsel vm5, v16, v22;
	[tilespmem:s19+$0xFFFFFFD0] =	vst v59  }
0x45: {  	v60 =	vsel vm7, v19, v20;
	[tilespmem:s19+$0xFFFFFF50] =	vst v27  }
0x46: {  	vm8 =	veq.s32 v58, $0x0;
	v61 =	vsel vm7, v17, v21;
	[tilespmem:s19+$0xFFFFFFE0] =	vst v60  }
0x47: {  	v62 =	vsel vm8, v18, v23;
	[tilespmem:s19+$0xFFFFFFF0] =	vst v61  }
0x48: {  	v63 =	vperm.xlane v24, v9;
	v30 =	vsel vm8, v16, v22;
	[tilespmem:s19+$0x0] =	vst v62  }
0x49: {  	v31 =	vsel vm8, v19, v20;
	[tilespmem:s19+$0x10] =	vst v30  }
0x4a: {  	v32 =	vsel vm8, v17, v21;
	vm9 =	veq.s32 v63, $0x0;
	[tilespmem:s19+$0x20] =	vst v31  }
0x4b: {  	v33 =	vsel vm9, v18, v23;
	[tilespmem:s19+$0x30] =	vst v32  }
0x4c: {  	v34 =	vperm.xlane v24, v10;
	v35 =	vsel vm9, v16, v22;
	[tilespmem:s19+$0x40] =	vst v33  }
0x4d: {  	v36 =	vsel vm9, v19, v20;
	[tilespmem:s19+$0x50] =	vst v35  }
0x4e: {  	vm10 =	veq.s32 v34, $0x0;
	v37 =	vsel vm9, v17, v21;
	[tilespmem:s19+$0x60] =	vst v36  }
0x4f: {  	v38 =	vsel vm10, v18, v23;
	[tilespmem:s19+$0x70] =	vst v37  }
0x50: {  	v39 =	vperm.xlane v24, v11;
	v40 =	vsel vm10, v16, v22;
	[tilespmem:s19+$0x80] =	vst v38  }
0x51: {  	v41 =	vsel vm10, v19, v20;
	[tilespmem:s19+$0x90] =	vst v40  }
0x52: {  	vm11 =	veq.s32 v39, $0x0;
	v42 =	vsel vm10, v17, v21;
	[tilespmem:s19+$0xA0] =	vst v41  }
0x53: {  	v43 =	vsel vm11, v18, v23;
	[tilespmem:s19+$0xB0] =	vst v42  }
0x54: {  	v49 =	vperm.xlane v24, v13;
	v45 =	vsel vm11, v16, v22;
	[tilespmem:s19+$0xC0] =	vst v43  }
0x55: {  	v46 =	vsel vm11, v19, v20;
	[tilespmem:s19+$0xD0] =	vst v45  }
0x56: {  	vm13 =	veq.s32 v49, $0x0;
	v47 =	vsel vm11, v17, v21;
	[tilespmem:s19+$0xE0] =	vst v46  }
0x57: {  	v53 =	vsel vm13, v18, v23;
	[tilespmem:s19+$0xF0] =	vst v47  }
0x58: {  	v44 =	vperm.xlane v24, v12;
	v55 =	vsel vm13, v16, v22;
	[tilespmem:s19+$0x140] =	vst v53  }
0x59: {  	v56 =	vsel vm13, v19, v20;
	[tilespmem:s19+$0x150] =	vst v55  }
0x5a: {  	v57 =	vsel vm13, v17, v21;
	vm12 =	veq.s32 v44, $0x0;
	[tilespmem:s19+$0x160] =	vst v56  }
0x5b: {  	[tilespmem:s19+$0x170] =	vst v57;
	v48 =	vsel vm12, v18, v23  }
0x5c: {  	v54 =	vperm.xlane v24, v14;
	v50 =	vsel vm12, v16, v22;
	[tilespmem:s19+$0x100] =	vst v48  }
0x5d: {  	v51 =	vsel vm12, v19, v20;
	[tilespmem:s19+$0x110] =	vst v50  }
0x5e: {  	vm14 =	veq.s32 v54, $0x0;
	v52 =	vsel vm12, v17, v21;
	[tilespmem:s19+$0x120] =	vst v51  }
0x5f: {  	v58 =	vsel vm14, v18, v23;
	[tilespmem:s19+$0x130] =	vst v52  }
0x60: {  	v24 =	vperm.xlane v24, v15;
	v26 =	vsel vm14, v16, v22;
	[tilespmem:s19+$0x180] =	vst v58  }
0x61: {  	v59 =	vsel vm14, v19, v20;
	[tilespmem:s19+$0x190] =	vst v26  }
0x62: {  	vm15 =	veq.s32 v24, $0x0;
	v60 =	vsel vm14, v17, v21;
	[tilespmem:s19+$0x1A0] =	vst v59  }
0x63: {  	v24 =	vsel vm15, v18, v23;
	[tilespmem:s19+$0x1B0] =	vst v60  }
0x64: {  	v61 =	vsel vm15, v16, v22;
	[tilespmem:s19+$0x1C0] =	vst v24  }
0x65: {  	v62 =	vsel vm15, v19, v20;
	[tilespmem:s19+$0x1D0] =	vst v61  }
0x66: {  	v63 =	vsel vm15, v17, v21;
	[tilespmem:s19+$0x1E0] =	vst v62  }
0x67: {  	s21 =	simm.s32 $0x10;
	s20 =	simm.s32 $0x80;
	[tilespmem:s19+$0x1F0] =	vst v63  }
.LBB2_2:
0x68: {  	p0 =	sne.s32 s20, $0x7C0;
	v24 =	vld [tilespmem:s21+$0x0];
	_ =	sdelay $0x4  }
0x69: {  	v25 =	vperm.xlane v24, v0;
	v26 =	vperm.xlane v24, v1  }
0x6a: {  	v27 =	vperm.xlane v24, v2;
	v28 =	vperm.xlane v24, v3  }
0x6b: {  	vm0 =	veq.s32 v25, $0x0;
	vm1 =	veq.s32 v26, $0x0;
	v25 =	vperm.xlane v24, v4  }
0x6c: {  	s19 =	sadd.s32 $0x400, s19;
	v26 =	vsel vm0, v18, v23;
	v29 =	vsel vm0, v16, v22;
	v30 =	vsel vm0, v19, v20  }
0x6d: {  	v31 =	vsel vm1, v18, v23;
	v32 =	vsel vm1, v16, v22;
	[tilespmem:s19+$0xFFFFFE00] =	vst v26;
	v26 =	vsel vm0, v17, v21  }
0x6e: {  	v33 =	vsel vm1, v17, v21;
	vm0 =	veq.s32 v27, $0x0;
	[tilespmem:s19+$0xFFFFFE10] =	vst v29;
	v29 =	vsel vm1, v19, v20  }
0x6f: {  	v27 =	vsel vm0, v18, v23;
	v34 =	vsel vm0, v19, v20;
	[tilespmem:s19+$0xFFFFFE20] =	vst v30;
	v30 =	vsel vm0, v16, v22  }
0x70: {  	vm1 =	veq.s32 v25, $0x0;
	[tilespmem:s19+$0xFFFFFE30] =	vst v26;
	v26 =	vsel vm0, v17, v21;
	vm0 =	veq.s32 v28, $0x0  }
0x71: {  	[tilespmem:s19+$0xFFFFFE40] =	vst v31;
	v25 =	vsel vm0, v18, v23;
	v28 =	vsel vm0, v16, v22;
	v31 =	vsel vm0, v19, v20  }
0x72: {  	v35 =	vsel vm1, v18, v23;
	v36 =	vsel vm1, v16, v22;
	[tilespmem:s19+$0xFFFFFE50] =	vst v32;
	v32 =	vsel vm0, v17, v21  }
0x73: {  	v38 =	vperm.xlane v24, v5;
	v37 =	vsel vm1, v17, v21;
	[tilespmem:s19+$0xFFFFFE60] =	vst v29;
	v29 =	vsel vm1, v19, v20  }
0x74: {  	v39 =	vperm.xlane v24, v7;
	[tilespmem:s19+$0xFFFFFE70] =	vst v33;
	v33 =	vperm.xlane v24, v6  }
0x75: {  	vm0 =	veq.s32 v38, $0x0;
	v38 =	vperm.xlane v24, v9;
	[tilespmem:s19+$0xFFFFFE80] =	vst v27;
	v27 =	vperm.xlane v24, v8  }
0x76: {  	v40 =	vsel vm0, v16, v22;
	v41 =	vsel vm0, v19, v20;
	[tilespmem:s19+$0xFFFFFE90] =	vst v30;
	v30 =	vsel vm0, v18, v23  }
0x77: {  	vm1 =	veq.s32 v39, $0x0;
	[tilespmem:s19+$0xFFFFFEA0] =	vst v34;
	v34 =	vsel vm0, v17, v21;
	vm0 =	veq.s32 v33, $0x0  }
0x78: {  	[tilespmem:s19+$0xFFFFFEB0] =	vst v26;
	v26 =	vsel vm0, v18, v23;
	v33 =	vsel vm0, v16, v22;
	v39 =	vsel vm0, v19, v20  }
0x79: {  	v42 =	vsel vm1, v18, v23;
	v43 =	vsel vm1, v16, v22;
	[tilespmem:s19+$0xFFFFFEC0] =	vst v25;
	v25 =	vsel vm0, v17, v21  }
0x7a: {  	v44 =	vsel vm1, v17, v21;
	vm0 =	veq.s32 v27, $0x0;
	[tilespmem:s19+$0xFFFFFED0] =	vst v28;
	v28 =	vsel vm1, v19, v20  }
0x7b: {  	v27 =	vsel vm0, v18, v23;
	v45 =	vsel vm0, v19, v20;
	[tilespmem:s19+$0xFFFFFEE0] =	vst v31;
	v31 =	vsel vm0, v16, v22  }
0x7c: {  	[tilespmem:s19+$0xFFFFFEF0] =	vst v32;
	v32 =	vsel vm0, v17, v21;
	vm0 =	veq.s32 v38, $0x0;
	v38 =	vperm.xlane v24, v10  }
0x7d: {  	[tilespmem:s19+$0xFFFFFF00] =	vst v35;
	v35 =	vsel vm0, v18, v23;
	v46 =	vsel vm0, v16, v22;
	v47 =	vsel vm0, v19, v20  }
0x7e: {  	[tilespmem:s19+$0xFFFFFF10] =	vst v36;
	v36 =	vsel vm0, v17, v21;
	vm0 =	veq.s32 v38, $0x0;
	v38 =	vperm.xlane v24, v11  }
0x7f: {  	[tilespmem:s19+$0xFFFFFF20] =	vst v29;
	v29 =	vsel vm0, v18, v23;
	v48 =	vsel vm0, v16, v22;
	v49 =	vsel vm0, v19, v20  }
0x80: {  	[tilespmem:s19+$0xFFFFFF30] =	vst v37;
	v37 =	vsel vm0, v17, v21;
	vm0 =	veq.s32 v38, $0x0;
	v38 =	vperm.xlane v24, v12  }
0x81: {  	[tilespmem:s19+$0xFFFFFF40] =	vst v30;
	v30 =	vsel vm0, v18, v23;
	v50 =	vsel vm0, v16, v22;
	v51 =	vsel vm0, v19, v20  }
0x82: {  	[tilespmem:s19+$0xFFFFFF50] =	vst v40;
	v40 =	vsel vm0, v17, v21;
	vm0 =	veq.s32 v38, $0x0;
	v38 =	vperm.xlane v24, v13  }
0x83: {  	[tilespmem:s19+$0xFFFFFF60] =	vst v41;
	v41 =	vsel vm0, v18, v23;
	v52 =	vsel vm0, v16, v22;
	v53 =	vsel vm0, v19, v20  }
0x84: {  	[tilespmem:s19+$0xFFFFFF70] =	vst v34;
	v34 =	vsel vm0, v17, v21;
	vm0 =	veq.s32 v38, $0x0;
	v38 =	vperm.xlane v24, v14  }
0x85: {  	[tilespmem:s19+$0xFFFFFF80] =	vst v26;
	v26 =	vsel vm0, v18, v23;
	v54 =	vsel vm0, v16, v22;
	v55 =	vsel vm0, v19, v20  }
0x86: {  	v24 =	vperm.xlane v24, v15;
	[tilespmem:s19+$0xFFFFFF90] =	vst v33;
	v33 =	vsel vm0, v17, v21;
	vm0 =	veq.s32 v38, $0x0  }
0x87: {  	[tilespmem:s19+$0xFFFFFFA0] =	vst v39;
	v38 =	vsel vm0, v18, v23;
	v39 =	vsel vm0, v16, v22;
	v56 =	vsel vm0, v19, v20  }
0x88: {  	[tilespmem:s19+$0xFFFFFFB0] =	vst v25;
	v25 =	vsel vm0, v17, v21;
	vm0 =	veq.s32 v24, $0x0  }
0x89: {  	[tilespmem:s19+$0xFFFFFFC0] =	vst v42;
	v24 =	vsel vm0, v18, v23;
	v42 =	vsel vm0, v16, v22;
	v57 =	vsel vm0, v19, v20  }
0x8a: {  	[tilespmem:s19+$0xFFFFFFD0] =	vst v43;
	v43 =	vsel vm0, v17, v21  }
0x8b: {  	[tilespmem:s19+$0xFFFFFFE0] =	vst v28  }
0x8c: {  	[tilespmem:s19+$0xFFFFFFF0] =	vst v44  }
0x8d: {  	[tilespmem:s19+$0x0] =	vst v27  }
0x8e: {  	[tilespmem:s19+$0x10] =	vst v31  }
0x8f: {  	[tilespmem:s19+$0x20] =	vst v45  }
0x90: {  	[tilespmem:s19+$0x30] =	vst v32  }
0x91: {  	[tilespmem:s19+$0x40] =	vst v35  }
0x92: {  	[tilespmem:s19+$0x50] =	vst v46  }
0x93: {  	[tilespmem:s19+$0x60] =	vst v47  }
0x94: {  	[tilespmem:s19+$0x70] =	vst v36  }
0x95: {  	[tilespmem:s19+$0x80] =	vst v29  }
0x96: {  	[tilespmem:s19+$0x90] =	vst v48  }
0x97: {  	[tilespmem:s19+$0xA0] =	vst v49  }
0x98: {  	[tilespmem:s19+$0xB0] =	vst v37  }
0x99: {  	[tilespmem:s19+$0xC0] =	vst v30  }
0x9a: {  	[tilespmem:s19+$0xD0] =	vst v50  }
0x9b: {  	[tilespmem:s19+$0xE0] =	vst v51  }
0x9c: {  	[tilespmem:s19+$0xF0] =	vst v40  }
0x9d: {  	[tilespmem:s19+$0x100] =	vst v41  }
0x9e: {  	[tilespmem:s19+$0x110] =	vst v52  }
0x9f: {  	[tilespmem:s19+$0x120] =	vst v53  }
0xa0: {  	[tilespmem:s19+$0x130] =	vst v34  }
0xa1: {  	[tilespmem:s19+$0x140] =	vst v26  }
0xa2: {  	[tilespmem:s19+$0x150] =	vst v54  }
0xa3: {  	[tilespmem:s19+$0x160] =	vst v55  }
0xa4: {  	[tilespmem:s19+$0x170] =	vst v33  }
0xa5: {  	[tilespmem:s19+$0x180] =	vst v38  }
0xa6: {  	[tilespmem:s19+$0x190] =	vst v39  }
0xa7: {  	[tilespmem:s19+$0x1A0] =	vst v56  }
.Ltmp0:
0xa8: {  	[tilespmem:s19+$0x1B0] =	vst v25;
	(pc) =	sbr.rel @p0 .LBB2_2-.Ltmp0, $4  }
0xa9: {  	[tilespmem:s19+$0x1C0] =	vst v24  }
0xaa: {  	[tilespmem:s19+$0x1D0] =	vst v42  }
0xab: {  	[tilespmem:s19+$0x1E0] =	vst v57  }
0xac: {  	s21 =	sshra.s32 s20, $0x2;
	s20 =	sadd.s32 $0x40, s20;
	[tilespmem:s19+$0x1F0] =	vst v43  }
0xad: {  	v24 =	vld [tilespmem:s21+$0x0];
	_ =	sdelay $0x4  }
0xae: {  	v25 =	vperm.xlane v24, v0;
	_ =	sdelay $0x1  }
0xaf: {  	vm0 =	veq.s32 v25, $0x0  }
0xb0: {  	s19 =	sadd.s32 $0x400, s19;
	v25 =	vsel vm0, v18, v23  }
0xb1: {  	v26 =	vperm.xlane v24, v1;
	v27 =	vsel vm0, v16, v22;
	[tilespmem:s19+$0xFFFFFE00] =	vst v25  }
0xb2: {  	v61 =	vsel vm0, v19, v20;
	[tilespmem:s19+$0xFFFFFE10] =	vst v27  }
0xb3: {  	vm1 =	veq.s32 v26, $0x0;
	v62 =	vsel vm0, v17, v21;
	[tilespmem:s19+$0xFFFFFE20] =	vst v61  }
0xb4: {  	v63 =	vsel vm1, v18, v23;
	[tilespmem:s19+$0xFFFFFE30] =	vst v62  }
0xb5: {  	v30 =	vperm.xlane v24, v2;
	v31 =	vsel vm1, v16, v22;
	[tilespmem:s19+$0xFFFFFE40] =	vst v63  }
0xb6: {  	v32 =	vsel vm1, v19, v20;
	[tilespmem:s19+$0xFFFFFE50] =	vst v31  }
0xb7: {  	vm14 =	veq.s32 v30, $0x0;
	v33 =	vsel vm1, v17, v21;
	[tilespmem:s19+$0xFFFFFE60] =	vst v32  }
0xb8: {  	v34 =	vsel vm14, v18, v23;
	[tilespmem:s19+$0xFFFFFE70] =	vst v33  }
0xb9: {  	v35 =	vperm.xlane v24, v3;
	v36 =	vsel vm14, v16, v22;
	[tilespmem:s19+$0xFFFFFE80] =	vst v34  }
0xba: {  	v37 =	vsel vm14, v19, v20;
	[tilespmem:s19+$0xFFFFFE90] =	vst v36  }
0xbb: {  	vm15 =	veq.s32 v35, $0x0;
	v38 =	vsel vm14, v17, v21;
	[tilespmem:s19+$0xFFFFFEA0] =	vst v37  }
0xbc: {  	v39 =	vsel vm15, v18, v23;
	[tilespmem:s19+$0xFFFFFEB0] =	vst v38  }
0xbd: {  	v40 =	vperm.xlane v24, v4;
	v41 =	vsel vm15, v16, v22;
	[tilespmem:s19+$0xFFFFFEC0] =	vst v39  }
0xbe: {  	v42 =	vsel vm15, v19, v20;
	[tilespmem:s19+$0xFFFFFED0] =	vst v41  }
0xbf: {  	vm4 =	veq.s32 v40, $0x0;
	v43 =	vsel vm15, v17, v21;
	[tilespmem:s19+$0xFFFFFEE0] =	vst v42  }
0xc0: {  	v44 =	vsel vm4, v18, v23;
	[tilespmem:s19+$0xFFFFFEF0] =	vst v43  }
0xc1: {  	v46 =	vperm.xlane v24, v5;
	v45 =	vsel vm4, v16, v22;
	[tilespmem:s19+$0xFFFFFF00] =	vst v44  }
0xc2: {  	v47 =	vsel vm4, v19, v20;
	[tilespmem:s19+$0xFFFFFF10] =	vst v45  }
0xc3: {  	vm5 =	veq.s32 v46, $0x0;
	v48 =	vsel vm4, v17, v21;
	[tilespmem:s19+$0xFFFFFF20] =	vst v47  }
0xc4: {  	v50 =	vperm.xlane v24, v6;
	v49 =	vsel vm5, v18, v23;
	[tilespmem:s19+$0xFFFFFF30] =	vst v48  }
0xc5: {  	v51 =	vsel vm5, v19, v20;
	[tilespmem:s19+$0xFFFFFF40] =	vst v49  }
0xc6: {  	vm6 =	veq.s32 v50, $0x0;
	v52 =	vsel vm5, v17, v21;
	[tilespmem:s19+$0xFFFFFF60] =	vst v51  }
0xc7: {  	v53 =	vsel vm6, v18, v23;
	[tilespmem:s19+$0xFFFFFF70] =	vst v52  }
0xc8: {  	v54 =	vperm.xlane v24, v7;
	v55 =	vsel vm6, v16, v22;
	[tilespmem:s19+$0xFFFFFF80] =	vst v53  }
0xc9: {  	v56 =	vsel vm6, v19, v20;
	[tilespmem:s19+$0xFFFFFF90] =	vst v55  }
0xca: {  	vm7 =	veq.s32 v54, $0x0;
	v57 =	vsel vm6, v17, v21;
	[tilespmem:s19+$0xFFFFFFA0] =	vst v56  }
0xcb: {  	v58 =	vsel vm7, v18, v23;
	[tilespmem:s19+$0xFFFFFFB0] =	vst v57  }
0xcc: {  	v60 =	vsel vm7, v16, v22;
	[tilespmem:s19+$0xFFFFFFC0] =	vst v58  }
0xcd: {  	v59 =	vperm.xlane v24, v8;
	v27 =	vsel vm5, v16, v22;
	[tilespmem:s19+$0xFFFFFFD0] =	vst v60  }
0xce: {  	v61 =	vsel vm7, v19, v20;
	[tilespmem:s19+$0xFFFFFF50] =	vst v27  }
0xcf: {  	vm8 =	veq.s32 v59, $0x0;
	v62 =	vsel vm7, v17, v21;
	[tilespmem:s19+$0xFFFFFFE0] =	vst v61  }
0xd0: {  	v63 =	vsel vm8, v18, v23;
	[tilespmem:s19+$0xFFFFFFF0] =	vst v62  }
0xd1: {  	v30 =	vperm.xlane v24, v9;
	v31 =	vsel vm8, v16, v22;
	[tilespmem:s19+$0x0] =	vst v63  }
0xd2: {  	v32 =	vsel vm8, v19, v20;
	[tilespmem:s19+$0x10] =	vst v31  }
0xd3: {  	v33 =	vsel vm8, v17, v21;
	vm9 =	veq.s32 v30, $0x0;
	[tilespmem:s19+$0x20] =	vst v32  }
0xd4: {  	v34 =	vsel vm9, v18, v23;
	[tilespmem:s19+$0x30] =	vst v33  }
0xd5: {  	v35 =	vperm.xlane v24, v10;
	v36 =	vsel vm9, v16, v22;
	[tilespmem:s19+$0x40] =	vst v34  }
0xd6: {  	v37 =	vsel vm9, v19, v20;
	[tilespmem:s19+$0x50] =	vst v36  }
0xd7: {  	vm10 =	veq.s32 v35, $0x0;
	v38 =	vsel vm9, v17, v21;
	[tilespmem:s19+$0x60] =	vst v37  }
0xd8: {  	v39 =	vsel vm10, v18, v23;
	[tilespmem:s19+$0x70] =	vst v38  }
0xd9: {  	v40 =	vperm.xlane v24, v11;
	v41 =	vsel vm10, v16, v22;
	[tilespmem:s19+$0x80] =	vst v39  }
0xda: {  	v42 =	vsel vm10, v19, v20;
	[tilespmem:s19+$0x90] =	vst v41  }
0xdb: {  	vm11 =	veq.s32 v40, $0x0;
	v43 =	vsel vm10, v17, v21;
	[tilespmem:s19+$0xA0] =	vst v42  }
0xdc: {  	v44 =	vsel vm11, v18, v23;
	[tilespmem:s19+$0xB0] =	vst v43  }
0xdd: {  	v50 =	vperm.xlane v24, v13;
	v46 =	vsel vm11, v16, v22;
	[tilespmem:s19+$0xC0] =	vst v44  }
0xde: {  	v47 =	vsel vm11, v19, v20;
	[tilespmem:s19+$0xD0] =	vst v46  }
0xdf: {  	vm13 =	veq.s32 v50, $0x0;
	v48 =	vsel vm11, v17, v21;
	[tilespmem:s19+$0xE0] =	vst v47  }
0xe0: {  	v54 =	vsel vm13, v18, v23;
	[tilespmem:s19+$0xF0] =	vst v48  }
0xe1: {  	v45 =	vperm.xlane v24, v12;
	v56 =	vsel vm13, v16, v22;
	[tilespmem:s19+$0x140] =	vst v54  }
0xe2: {  	v57 =	vsel vm13, v19, v20;
	[tilespmem:s19+$0x150] =	vst v56  }
0xe3: {  	v58 =	vsel vm13, v17, v21;
	vm12 =	veq.s32 v45, $0x0;
	[tilespmem:s19+$0x160] =	vst v57  }
0xe4: {  	[tilespmem:s19+$0x170] =	vst v58;
	v49 =	vsel vm12, v18, v23  }
0xe5: {  	v55 =	vperm.xlane v24, v14;
	v51 =	vsel vm12, v16, v22;
	[tilespmem:s19+$0x100] =	vst v49  }
0xe6: {  	v52 =	vsel vm12, v19, v20;
	[tilespmem:s19+$0x110] =	vst v51  }
0xe7: {  	vm14 =	veq.s32 v55, $0x0;
	v53 =	vsel vm12, v17, v21;
	[tilespmem:s19+$0x120] =	vst v52  }
0xe8: {  	v59 =	vsel vm14, v18, v23;
	[tilespmem:s19+$0x130] =	vst v53  }
0xe9: {  	v24 =	vperm.xlane v24, v15;
	v26 =	vsel vm14, v16, v22;
	[tilespmem:s19+$0x180] =	vst v59  }
0xea: {  	v60 =	vsel vm14, v19, v20;
	[tilespmem:s19+$0x190] =	vst v26  }
0xeb: {  	vm15 =	veq.s32 v24, $0x0;
	v61 =	vsel vm14, v17, v21;
	[tilespmem:s19+$0x1A0] =	vst v60  }
0xec: {  	v62 =	vsel vm15, v18, v23;
	[tilespmem:s19+$0x1B0] =	vst v61  }
0xed: {  	v16 =	vsel vm15, v16, v22;
	[tilespmem:s19+$0x1C0] =	vst v62  }
0xee: {  	v63 =	vsel vm15, v19, v20;
	[tilespmem:s19+$0x1D0] =	vst v16  }
0xef: {  	v16 =	vsel vm15, v17, v21;
	[tilespmem:s19+$0x1E0] =	vst v63  }
0xf0: {  	[tilespmem:s19+$0x1F0] =	vst v16  }
0xf1: {  	_ =	swait.ge [sflag:s14], $0x8000  }
0xf2: {  	[sflag:s14] =	ssyncset.done $0x0  }
0xf3: {  	[sflag:s14] =	ssyncadd.s32 $0xFFFF8000  }
0xf4: {  	[hbm4b:s8+s15] =	stream.strided.scatter [tilespmem:s13], [sflag:$0x1], $0x8000, s16, s15, $0x38;
	[tilespmem:$0x10480] =	vst v63  }
0xf5: {  	s18 =	sadd.s32 $0x1, s18  }
0xf6: {  	[hbm4b:s6+s15] =	stream.strided.scatter [tilespmem:s17], [sflag:$0x1], $0x8000, s16, s15, $0x38;
	[tilespmem:$0x10480] =	vst v63  }
0xf7: {  	p0 =	sne.s32 s18, s9;
	_ =	swait.ge [sflag:s14], $0x8000  }
.Ltmp1:
0xf8: {  	[sflag:s14] =	ssyncset.done $0x0;
	(pc) =	sbr.rel @p0 .LBB2_1-.Ltmp1, $4  }
0xf9: {  	[sflag:s14] =	ssyncadd.s32 $0xFFFF8000  }
0xfa: {  	_ =	swait.ge [sflag:s14], $0x8000  }
0xfb: {  	[sflag:s14] =	ssyncset.done $0x0  }
0xfc: {  	[sflag:s14] =	ssyncadd.s32 $0xFFFF8000  }
0xfd: {  	_ =	sfence.sel $0x180000  }
0xfe: {  	[bflag:$0x0] =	sbarrier.arrive $0xFFFF  }
0xff: {  	p0 =	sne.s32 s1, $0x0;
	_ =	strace $0x90000047  }
0x100: {  	s0 =	sadd.s32 @!p0 $0x100000, s0;
	[bflag:$0x2] =	sbarrier.arrive $0xFFFF  }
0x101: {  	[sflag:s0] =	ssyncadd.tile.s32 @!p0 $0x1;
	_ =	shalt  }
.Lfunc_end2:
_tile_overlayer_lowered:
.L_overlay_start_2:
0x102: {  	(tag) =	ssettag $0x2  }
0x103: {  	s0 =	rddreg [dreg:$0x0];
	s2 =	stileid.u32  }
0x104: {  	s1 =	rddreg [dreg:$0x1];
	p0 =	sne.s32 s2, $0x0  }
0x105: {  	s3 =	rddreg [dreg:$0x2];
	[bflag:$0x3] =	sbarrier.arrive $0xFFFF;
	s2 =	simm.s32 @!p0 $0x1C02  }
0x106: {  	[timem:s3], [sflag:s2] =	dma.local @!p0 [hbm:s0], s1  }
0x107: {  	s0 =	simm.s32 @!p0 $0x2  }
0x108: {  	_ =	swait.ge @!p0 [sflag:s0], s1  }
0x109: {  	s1 =	ssub.s32 @!p0 $0x0, s1;
	[sflag:s0] =	ssyncset.done @!p0 $0x0  }
0x10a: {  	[sflag:s0] =	ssyncadd.s32 @!p0 s1  }
0x10b: {  	[bflag:$0x3] =	sbarrier.arrive $0xFFFF  }
0x10c: {  	_ =	shalt  }

</sc_bundles>
